<compile_context>
chip_gen: v7x
topology: tpu7x:2x2x1
jax: 0.10.2.dev20260603
libtpu: 0.0.44.dev20260713+nightly
codegen_flags: <defaults>
</compile_context>

<pallas_src>
import jax
import jax.numpy as jnp
from jax import lax
from jax.experimental import pallas as pl
from jax.experimental.pallas import tpu as pltpu
from jax.experimental.pallas import tpu_sc as plsc

N_NODES = 100000
N_EDGES = 3200000
NG = 10

NUM_CORES = 2
NUM_SUBCORES = 16
N_WORKERS = NUM_CORES * NUM_SUBCORES
CHUNK = 1024
GROUPS = CHUNK // 16
TOTAL_CHUNKS = N_EDGES // CHUNK
BASE_CHUNKS = TOTAL_CHUNKS // N_WORKERS
EXTRA_CHUNKS = TOTAL_CHUNKS % N_WORKERS
N_PAIRS = (BASE_CHUNKS + 1 + 1) // 2

_MAGIC = 0x5F3759DF


def _edge_body(ei_hbm, posf_hbm, prm_hbm, out_hbm,
               eiv0, eiv1, idxi0, idxi1, idxj0, idxj1,
               pif0, pif1, pjf0, pjf1, outv0, outv1, prmv,
               sem_e0, sem_e1, sem_i0, sem_i1, sem_j0, sem_j1,
               sem_o0, sem_o1):
    c = lax.axis_index("c")
    s = lax.axis_index("s")
    wid = s * NUM_CORES + c

    eiv = [eiv0, eiv1]
    idxi = [idxi0, idxi1]
    idxj = [idxj0, idxj1]
    pif = [pif0, pif1]
    pjf = [pjf0, pjf1]
    outv = [outv0, outv1]
    sem_e = [sem_e0, sem_e1]
    sem_i = [sem_i0, sem_i1]
    sem_j = [sem_j0, sem_j1]
    sem_o = [sem_o0, sem_o1]

    pltpu.sync_copy(prm_hbm, prmv)
    shifts = [prmv[k] for k in range(NG)]
    coefs = [prmv[NG + k] for k in range(NG)]
    n_chunks = BASE_CHUNKS + jnp.where(wid < EXTRA_CHUNKS, 1, 0)

    def ei_slice(ci):
        return ei_hbm.at[:, pl.ds((ci * N_WORKERS + wid) * CHUNK, CHUNK)]

    def out_slice(ci):
        return out_hbm.at[:, pl.ds((ci * N_WORKERS + wid) * CHUNK, CHUNK)]

    def expand(p):
        ev, ii, ij = eiv[p], idxi[p], idxj[p]

        def body(g, carry):
            sl = pl.ds(g * 16, 16)
            s3 = ev[0, sl] * 3
            d3 = ev[1, sl] * 3
            ii[sl] = s3
            ii[pl.ds(CHUNK + g * 16, 16)] = s3 + 1
            ii[pl.ds(2 * CHUNK + g * 16, 16)] = s3 + 2
            ij[sl] = d3
            ij[pl.ds(CHUNK + g * 16, 16)] = d3 + 1
            ij[pl.ds(2 * CHUNK + g * 16, 16)] = d3 + 2
            return carry

        lax.fori_loop(0, GROUPS, body, 0, unroll=2)

    def fire_gathers(p):
        pltpu.async_copy(posf_hbm.at[idxi[p]], pif[p], sem_i[p])
        pltpu.async_copy(posf_hbm.at[idxj[p]], pjf[p], sem_j[p])

    def wait_gathers(p):
        pltpu.make_async_copy(posf_hbm.at[idxi[p]], pif[p], sem_i[p]).wait()
        pltpu.make_async_copy(posf_hbm.at[idxj[p]], pjf[p], sem_j[p]).wait()

    def compute(p):
        src, dst, ov = pif[p], pjf[p], outv[p]

        def body(g, carry):
            sl = pl.ds(g * 16, 16)
            sly = pl.ds(CHUNK + g * 16, 16)
            slz = pl.ds(2 * CHUNK + g * 16, 16)
            dx = src[sl] - dst[sl]
            dy = src[sly] - dst[sly]
            dz = src[slz] - dst[slz]
            d2 = jnp.maximum(dx * dx + dy * dy + dz * dz,
                             jnp.float32(1e-30))
            bits = lax.bitcast_convert_type(d2, jnp.int32)
            r = lax.bitcast_convert_type(
                jnp.int32(_MAGIC) - lax.shift_right_logical(bits, 1),
                jnp.float32)
            half = jnp.float32(0.5) * d2
            for _ in range(3):
                r = r * (jnp.float32(1.5) - half * r * r)
            length = d2 * r
            for k in range(NG):
                t = length - shifts[k]
                o = jnp.exp(t * t * coefs[k])
                ov[k, sl] = o
            return carry

        lax.fori_loop(0, GROUPS, body, 0, unroll=2)

    def step(n, p):
        q = 1 - p
        wait_gathers(p)

        @pl.when(n + 1 < n_chunks)
        def _prep_next():
            pltpu.make_async_copy(ei_slice(n + 1), eiv[q], sem_e[q]).wait()
            expand(q)
            fire_gathers(q)

        @pl.when(n + 2 < n_chunks)
        def _prefetch_ei():
            pltpu.async_copy(ei_slice(n + 2), eiv[p], sem_e[p])

        @pl.when(n >= 2)
        def _drain_out():
            pltpu.make_async_copy(outv[p], out_slice(n - 2), sem_o[p]).wait()

        compute(p)
        pltpu.async_copy(outv[p], out_slice(n), sem_o[p])

    pltpu.sync_copy(ei_slice(0), eiv[0])
    expand(0)
    fire_gathers(0)
    pltpu.async_copy(ei_slice(1), eiv[1], sem_e[1])

    def pair_body(i, carry):
        step(2 * i, 0)

        @pl.when(2 * i + 1 < n_chunks)
        def _odd():
            step(2 * i + 1, 1)

        return carry

    lax.fori_loop(0, N_PAIRS, pair_body, 0)
    pltpu.make_async_copy(outv[0], out_slice(0), sem_o[0]).wait()
    pltpu.make_async_copy(outv[1], out_slice(0), sem_o[1]).wait()


@jax.jit
def _gbf_sc(ei, posf, prm):
    mesh = plsc.VectorSubcoreMesh(core_axis_name="c", subcore_axis_name="s")
    fn = pl.kernel(
        _edge_body,
        out_type=jax.ShapeDtypeStruct((NG, N_EDGES), jnp.float32),
        mesh=mesh,
        compiler_params=pltpu.CompilerParams(needs_layout_passes=False),
        scratch_types=[
            pltpu.VMEM((2, CHUNK), jnp.int32),
            pltpu.VMEM((2, CHUNK), jnp.int32),
            pltpu.VMEM((3 * CHUNK,), jnp.int32),
            pltpu.VMEM((3 * CHUNK,), jnp.int32),
            pltpu.VMEM((3 * CHUNK,), jnp.int32),
            pltpu.VMEM((3 * CHUNK,), jnp.int32),
            pltpu.VMEM((3 * CHUNK,), jnp.float32),
            pltpu.VMEM((3 * CHUNK,), jnp.float32),
            pltpu.VMEM((3 * CHUNK,), jnp.float32),
            pltpu.VMEM((3 * CHUNK,), jnp.float32),
            pltpu.VMEM((NG, CHUNK), jnp.float32),
            pltpu.VMEM((NG, CHUNK), jnp.float32),
            pltpu.VMEM((2 * NG, 16), jnp.float32),
            pltpu.SemaphoreType.DMA,
            pltpu.SemaphoreType.DMA,
            pltpu.SemaphoreType.DMA,
            pltpu.SemaphoreType.DMA,
            pltpu.SemaphoreType.DMA,
            pltpu.SemaphoreType.DMA,
            pltpu.SemaphoreType.DMA,
            pltpu.SemaphoreType.DMA,
        ],
    )
    return fn(ei, posf, prm)


def kernel(pos, edge_index, shift, scale):
    coef = -1.0 / (2.0 * scale * scale)
    prm = jnp.concatenate(
        [jnp.broadcast_to(shift[:, None], (NG, 16)),
         jnp.broadcast_to(coef[:, None], (NG, 16))], axis=0)
    out = _gbf_sc(edge_index, pos.reshape(-1), prm)
    return out.T

# --- scband reference (transcript-rebuilt; emitter-appended) ---
"""Pipeline reference for scband-gbfmodule-59072980189788 (READ-ONLY COPY).

The authoritative reference and input builder live on the scoring server;
editing this copy changes nothing except your own understanding.
"""

import jax, jax.numpy as jnp
import numpy as np

N_NODES = 100000
N_EDGES = 3200000
NUM_GAUSSIANS = 10


def setup_inputs(seed: int = 0) -> dict:
    key = jax.random.key(seed)
    k1, k2, k3 = jax.random.split(key, 3)
    pos = jax.random.normal(k1, (N_NODES, 3), dtype=jnp.float32)
    src = jax.random.randint(k2, (N_EDGES,), 0, N_NODES, dtype=jnp.int32)
    # avoid self-loops (zero-length edges) to keep norm well-defined
    offset = jax.random.randint(k3, (N_EDGES,), 1, N_NODES, dtype=jnp.int32)
    dst = (src + offset) % N_NODES
    edge_index = jnp.stack([src, dst], axis=0)
    # learned parameters (match nn.Parameter init in __init__)
    shift = jnp.linspace(0.0, 3.0, NUM_GAUSSIANS).astype(jnp.float32)
    scale = jnp.ones((NUM_GAUSSIANS,), dtype=jnp.float32)
    return {"pos": pos, "edge_index": edge_index, "shift": shift, "scale": scale}


def reference(pos, edge_index, shift, scale):
    # gather endpoint positions (SparseCore-style gathers)
    pos_i = jnp.take(pos, edge_index[0], axis=0)
    pos_j = jnp.take(pos, edge_index[1], axis=0)
    dist = pos_i - pos_j
    length = jnp.linalg.norm(dist, axis=-1, keepdims=True)  # (E, 1)
    squared_diff = jnp.square(length - shift)               # (E, num_gaussians)
    squared_scale = jnp.square(scale)
    gaussian = jnp.exp(-squared_diff / (2.0 * squared_scale))
    # normalized=False, so no normalization factor
    return gaussian

if __name__ == "__main__":
    import jax
    _d = setup_inputs()
    print(jax.jit(kernel)(*tuple(_d.values())))

</pallas_src>

<mosaic_0001>
#map = affine_map<(d0, d1) -> (0, 0)>
#map1 = affine_map<(d0, d1) -> (0)>
module attributes {stable_mosaic.version = 14 : i64} {
  func.func @_edge_body(%arg0: i32, %arg1: i32, %arg2: memref<2x3200000xi32, #tpu.memory_space<hbm>>, %arg3: memref<300000xf32, #tpu.memory_space<hbm>>, %arg4: memref<20x16xf32, #tpu.memory_space<hbm>>, %arg5: memref<10x3200000xf32, #tpu.memory_space<hbm>>, %arg6: memref<2x1024xi32, #tpu.memory_space<vmem>>, %arg7: memref<2x1024xi32, #tpu.memory_space<vmem>>, %arg8: memref<3072xi32, #tpu.memory_space<vmem>>, %arg9: memref<3072xi32, #tpu.memory_space<vmem>>, %arg10: memref<3072xi32, #tpu.memory_space<vmem>>, %arg11: memref<3072xi32, #tpu.memory_space<vmem>>, %arg12: memref<3072xf32, #tpu.memory_space<vmem>>, %arg13: memref<3072xf32, #tpu.memory_space<vmem>>, %arg14: memref<3072xf32, #tpu.memory_space<vmem>>, %arg15: memref<3072xf32, #tpu.memory_space<vmem>>, %arg16: memref<10x1024xf32, #tpu.memory_space<vmem>>, %arg17: memref<10x1024xf32, #tpu.memory_space<vmem>>, %arg18: memref<20x16xf32, #tpu.memory_space<vmem>>, %arg19: memref<!tpu.dma_semaphore, #tpu.memory_space<semaphore_mem>>, %arg20: memref<!tpu.dma_semaphore, #tpu.memory_space<semaphore_mem>>, %arg21: memref<!tpu.dma_semaphore, #tpu.memory_space<semaphore_mem>>, %arg22: memref<!tpu.dma_semaphore, #tpu.memory_space<semaphore_mem>>, %arg23: memref<!tpu.dma_semaphore, #tpu.memory_space<semaphore_mem>>, %arg24: memref<!tpu.dma_semaphore, #tpu.memory_space<semaphore_mem>>, %arg25: memref<!tpu.dma_semaphore, #tpu.memory_space<semaphore_mem>>, %arg26: memref<!tpu.dma_semaphore, #tpu.memory_space<semaphore_mem>>) attributes {dimension_semantics = [#tpu.dimension_semantics<core_parallel>, #tpu.dimension_semantics<subcore_parallel>], iteration_bounds = array<i64: 2, 16>, scalar_prefetch = 0 : i64, scratch_operands = 21 : i64, tpu.core_type = #tpu.core_type<sc_vector_subcore>, window_params = [{transform_indices = #map}, {transform_indices = #map1}, {transform_indices = #map}, {transform_indices = #map}]} {
    %mul3A = arith.constant 2 : i32
    %mul3A_0 = arith.muli %arg1, %mul3A : i32
    %add3A = arith.addi %mul3A_0, %arg0 : i32
    "tpu.region"() ({
      %run_scoped3A = tpu.sem_alloc : memref<!tpu.dma_semaphore, #tpu.memory_space<semaphore_mem>>
      tpu.enqueue_dma source(%arg4 : memref<20x16xf32, #tpu.memory_space<hbm>>) target(%arg18 : memref<20x16xf32, #tpu.memory_space<vmem>>) target_semaphore(%run_scoped3A : memref<!tpu.dma_semaphore, #tpu.memory_space<semaphore_mem>>)
      tpu.wait_dma2 semaphore(%run_scoped3A : memref<!tpu.dma_semaphore, #tpu.memory_space<semaphore_mem>>) src(%arg4 : memref<20x16xf32, #tpu.memory_space<hbm>>) dst(%arg18 : memref<20x16xf32, #tpu.memory_space<vmem>>)
      tpu.yield
    }) : () -> ()
    %get3A = arith.constant 0 : i32
    %get3A_1 = arith.index_cast %get3A : i32 to index
    %get3A_2 = arith.constant 0 : index
    %get3A_3 = tpu.vector_load %arg18[%get3A_1, %get3A_2] {strides = array<i32>} : memref<20x16xf32, #tpu.memory_space<vmem>>, vector<16xf32>,
    %get3A_4 = arith.constant 1 : i32
    %get3A_5 = arith.index_cast %get3A_4 : i32 to index
    %get3A_6 = arith.constant 0 : index
    %get3A_7 = tpu.vector_load %arg18[%get3A_5, %get3A_6] {strides = array<i32>} : memref<20x16xf32, #tpu.memory_space<vmem>>, vector<16xf32>,
    %get3A_8 = arith.constant 2 : i32
    %get3A_9 = arith.index_cast %get3A_8 : i32 to index
    %get3A_10 = arith.constant 0 : index
    %get3A_11 = tpu.vector_load %arg18[%get3A_9, %get3A_10] {strides = array<i32>} : memref<20x16xf32, #tpu.memory_space<vmem>>, vector<16xf32>,
    %get3A_12 = arith.constant 3 : i32
    %get3A_13 = arith.index_cast %get3A_12 : i32 to index
    %get3A_14 = arith.constant 0 : index
    %get3A_15 = tpu.vector_load %arg18[%get3A_13, %get3A_14] {strides = array<i32>} : memref<20x16xf32, #tpu.memory_space<vmem>>, vector<16xf32>,
    %get3A_16 = arith.constant 4 : i32
    %get3A_17 = arith.index_cast %get3A_16 : i32 to index
    %get3A_18 = arith.constant 0 : index
    %get3A_19 = tpu.vector_load %arg18[%get3A_17, %get3A_18] {strides = array<i32>} : memref<20x16xf32, #tpu.memory_space<vmem>>, vector<16xf32>,
    %get3A_20 = arith.constant 5 : i32
    %get3A_21 = arith.index_cast %get3A_20 : i32 to index
    %get3A_22 = arith.constant 0 : index
    %get3A_23 = tpu.vector_load %arg18[%get3A_21, %get3A_22] {strides = array<i32>} : memref<20x16xf32, #tpu.memory_space<vmem>>, vector<16xf32>,
    %get3A_24 = arith.constant 6 : i32
    %get3A_25 = arith.index_cast %get3A_24 : i32 to index
    %get3A_26 = arith.constant 0 : index
    %get3A_27 = tpu.vector_load %arg18[%get3A_25, %get3A_26] {strides = array<i32>} : memref<20x16xf32, #tpu.memory_space<vmem>>, vector<16xf32>,
    %get3A_28 = arith.constant 7 : i32
    %get3A_29 = arith.index_cast %get3A_28 : i32 to index
    %get3A_30 = arith.constant 0 : index
    %get3A_31 = tpu.vector_load %arg18[%get3A_29, %get3A_30] {strides = array<i32>} : memref<20x16xf32, #tpu.memory_space<vmem>>, vector<16xf32>,
    %get3A_32 = arith.constant 8 : i32
    %get3A_33 = arith.index_cast %get3A_32 : i32 to index
    %get3A_34 = arith.constant 0 : index
    %get3A_35 = tpu.vector_load %arg18[%get3A_33, %get3A_34] {strides = array<i32>} : memref<20x16xf32, #tpu.memory_space<vmem>>, vector<16xf32>,
    %get3A_36 = arith.constant 9 : i32
    %get3A_37 = arith.index_cast %get3A_36 : i32 to index
    %get3A_38 = arith.constant 0 : index
    %get3A_39 = tpu.vector_load %arg18[%get3A_37, %get3A_38] {strides = array<i32>} : memref<20x16xf32, #tpu.memory_space<vmem>>, vector<16xf32>,
    %get3A_40 = arith.constant 10 : i32
    %get3A_41 = arith.index_cast %get3A_40 : i32 to index
    %get3A_42 = arith.constant 0 : index
    %get3A_43 = tpu.vector_load %arg18[%get3A_41, %get3A_42] {strides = array<i32>} : memref<20x16xf32, #tpu.memory_space<vmem>>, vector<16xf32>,
    %get3A_44 = arith.constant 11 : i32
    %get3A_45 = arith.index_cast %get3A_44 : i32 to index
    %get3A_46 = arith.constant 0 : index
    %get3A_47 = tpu.vector_load %arg18[%get3A_45, %get3A_46] {strides = array<i32>} : memref<20x16xf32, #tpu.memory_space<vmem>>, vector<16xf32>,
    %get3A_48 = arith.constant 12 : i32
    %get3A_49 = arith.index_cast %get3A_48 : i32 to index
    %get3A_50 = arith.constant 0 : index
    %get3A_51 = tpu.vector_load %arg18[%get3A_49, %get3A_50] {strides = array<i32>} : memref<20x16xf32, #tpu.memory_space<vmem>>, vector<16xf32>,
    %get3A_52 = arith.constant 13 : i32
    %get3A_53 = arith.index_cast %get3A_52 : i32 to index
    %get3A_54 = arith.constant 0 : index
    %get3A_55 = tpu.vector_load %arg18[%get3A_53, %get3A_54] {strides = array<i32>} : memref<20x16xf32, #tpu.memory_space<vmem>>, vector<16xf32>,
    %get3A_56 = arith.constant 14 : i32
    %get3A_57 = arith.index_cast %get3A_56 : i32 to index
    %get3A_58 = arith.constant 0 : index
    %get3A_59 = tpu.vector_load %arg18[%get3A_57, %get3A_58] {strides = array<i32>} : memref<20x16xf32, #tpu.memory_space<vmem>>, vector<16xf32>,
    %get3A_60 = arith.constant 15 : i32
    %get3A_61 = arith.index_cast %get3A_60 : i32 to index
    %get3A_62 = arith.constant 0 : index
    %get3A_63 = tpu.vector_load %arg18[%get3A_61, %get3A_62] {strides = array<i32>} : memref<20x16xf32, #tpu.memory_space<vmem>>, vector<16xf32>,
    %get3A_64 = arith.constant 16 : i32
    %get3A_65 = arith.index_cast %get3A_64 : i32 to index
    %get3A_66 = arith.constant 0 : index
    %get3A_67 = tpu.vector_load %arg18[%get3A_65, %get3A_66] {strides = array<i32>} : memref<20x16xf32, #tpu.memory_space<vmem>>, vector<16xf32>,
    %get3A_68 = arith.constant 17 : i32
    %get3A_69 = arith.index_cast %get3A_68 : i32 to index
    %get3A_70 = arith.constant 0 : index
    %get3A_71 = tpu.vector_load %arg18[%get3A_69, %get3A_70] {strides = array<i32>} : memref<20x16xf32, #tpu.memory_space<vmem>>, vector<16xf32>,
    %get3A_72 = arith.constant 18 : i32
    %get3A_73 = arith.index_cast %get3A_72 : i32 to index
    %get3A_74 = arith.constant 0 : index
    %get3A_75 = tpu.vector_load %arg18[%get3A_73, %get3A_74] {strides = array<i32>} : memref<20x16xf32, #tpu.memory_space<vmem>>, vector<16xf32>,
    %get3A_76 = arith.constant 19 : i32
    %get3A_77 = arith.index_cast %get3A_76 : i32 to index
    %get3A_78 = arith.constant 0 : index
    %get3A_79 = tpu.vector_load %arg18[%get3A_77, %get3A_78] {strides = array<i32>} : memref<20x16xf32, #tpu.memory_space<vmem>>, vector<16xf32>,
    %lt3A = arith.constant 21 : i32
    %lt3A_80 = arith.cmpi slt, %add3A, %lt3A : i32
    %jit3A = arith.constant 1 : i32
    %jit3A_81 = arith.constant 0 : i32
    %select_n3A = arith.select %lt3A_80, %jit3A, %jit3A_81 : i32
    %add3A_82 = arith.constant 97 : i32
    %add3A_83 = arith.addi %add3A_82, %select_n3A : i32
    %add3A_84 = arith.constant 0 : i32
    %add3A_85 = arith.addi %add3A_84, %add3A : i32
    %mul3A_86 = arith.constant 1024 : i32
    %mul3A_87 = arith.muli %add3A_85, %mul3A_86 : i32
    "tpu.region"() ({
      %run_scoped3A = tpu.sem_alloc : memref<!tpu.dma_semaphore, #tpu.memory_space<semaphore_mem>>
      %dma_start3A_125 = arith.constant 0 : i32
      %dma_start3A_126 = tpu.memref_slice %arg2[%dma_start3A_125, %mul3A_87] : memref<2x3200000xi32, #tpu.memory_space<hbm>> -> memref<2x1024xi32, #tpu.memory_space<hbm>>
      %dma_start3A_127 = arith.constant 0 : i32
      %dma_start3A_128 = tpu.memref_slice %arg2[%dma_start3A_127, %mul3A_87] : memref<2x3200000xi32, #tpu.memory_space<hbm>> -> memref<2x1024xi32, #tpu.memory_space<hbm>>
      tpu.enqueue_dma source(%dma_start3A_128 : memref<2x1024xi32, #tpu.memory_space<hbm>>) target(%arg6 : memref<2x1024xi32, #tpu.memory_space<vmem>>) target_semaphore(%run_scoped3A : memref<!tpu.dma_semaphore, #tpu.memory_space<semaphore_mem>>)
      %dma_wait3A_129 = arith.constant 0 : i32
      %dma_wait3A_130 = tpu.memref_slice %arg2[%dma_wait3A_129, %mul3A_87] : memref<2x3200000xi32, #tpu.memory_space<hbm>> -> memref<2x1024xi32, #tpu.memory_space<hbm>>
      %dma_wait3A_131 = arith.constant 0 : i32
      %dma_wait3A_132 = tpu.memref_slice %arg2[%dma_wait3A_131, %mul3A_87] : memref<2x3200000xi32, #tpu.memory_space<hbm>> -> memref<2x1024xi32, #tpu.memory_space<hbm>>
      tpu.wait_dma2 semaphore(%run_scoped3A : memref<!tpu.dma_semaphore, #tpu.memory_space<semaphore_mem>>) src(%dma_wait3A_132 : memref<2x1024xi32, #tpu.memory_space<hbm>>) dst(%arg6 : memref<2x1024xi32, #tpu.memory_space<vmem>>)
      tpu.yield
    }) : () -> ()
    %scan3A = arith.constant 0 : i32
    %scan3A_88 = arith.constant 0 : i32
    %scan3A_89 = arith.constant 64 : i32
    %scan3A_90 = arith.addi %scan3A_88, %scan3A_89 : i32
    %scan3A_91 = arith.constant 2 : i32
    scf.for %scan3A_125 = %scan3A_88 to %scan3A_90 step %scan3A_91  : i32 {
      %mul3A_126 = arith.constant 16 : i32
      %mul3A_127 = arith.muli %scan3A_125, %mul3A_126 : i32
      %get3A_128 = arith.constant 0 : i32
      %get3A_129 = arith.index_cast %get3A_128 : i32 to index
      %get3A_130 = arith.index_cast %mul3A_127 : i32 to index
      %get3A_131 = tpu.vector_load %arg6[%get3A_129, %get3A_130] {strides = array<i32>} : memref<2x1024xi32, #tpu.memory_space<vmem>>, vector<16xi32>,
      %mul3A_132 = arith.constant 3 : i32
      %mul3A_133 = vector.broadcast %mul3A_132 : i32 to vector<16xi32>
      %mul3A_134 = arith.muli %get3A_131, %mul3A_133 : vector<16xi32>
      %get3A_135 = arith.constant 1 : i32
      %get3A_136 = arith.index_cast %get3A_135 : i32 to index
      %get3A_137 = arith.index_cast %mul3A_127 : i32 to index
      %get3A_138 = tpu.vector_load %arg6[%get3A_136, %get3A_137] {strides = array<i32>} : memref<2x1024xi32, #tpu.memory_space<vmem>>, vector<16xi32>,
      %mul3A_139 = arith.constant 3 : i32
      %mul3A_140 = vector.broadcast %mul3A_139 : i32 to vector<16xi32>
      %mul3A_141 = arith.muli %get3A_138, %mul3A_140 : vector<16xi32>
      %swap3A = arith.index_cast %mul3A_127 : i32 to index
      %swap3A_142 = tpu.vector_load %arg8[%swap3A] {strides = array<i32>} : memref<3072xi32, #tpu.memory_space<vmem>>, vector<16xi32>,
      tpu.vector_store %arg8[%swap3A], %mul3A_134 {strides = array<i32>} : memref<3072xi32, #tpu.memory_space<vmem>>, vector<16xi32>,
      %add3A_143 = arith.constant 1 : i32
      %add3A_144 = vector.broadcast %add3A_143 : i32 to vector<16xi32>
      %add3A_145 = arith.addi %mul3A_134, %add3A_144 : vector<16xi32>
      %mul3A_146 = arith.constant 16 : i32
      %mul3A_147 = arith.muli %scan3A_125, %mul3A_146 : i32
      %add3A_148 = arith.constant 1024 : i32
      %add3A_149 = arith.addi %add3A_148, %mul3A_147 : i32
      %swap3A_150 = arith.index_cast %add3A_149 : i32 to index
      %swap3A_151 = tpu.vector_load %arg8[%swap3A_150] {strides = array<i32>} : memref<3072xi32, #tpu.memory_space<vmem>>, vector<16xi32>,
      tpu.vector_store %arg8[%swap3A_150], %add3A_145 {strides = array<i32>} : memref<3072xi32, #tpu.memory_space<vmem>>, vector<16xi32>,
      %add3A_152 = arith.constant 2 : i32
      %add3A_153 = vector.broadcast %add3A_152 : i32 to vector<16xi32>
      %add3A_154 = arith.addi %mul3A_134, %add3A_153 : vector<16xi32>
      %mul3A_155 = arith.constant 16 : i32
      %mul3A_156 = arith.muli %scan3A_125, %mul3A_155 : i32
      %add3A_157 = arith.constant 2048 : i32
      %add3A_158 = arith.addi %add3A_157, %mul3A_156 : i32
      %swap3A_159 = arith.index_cast %add3A_158 : i32 to index
      %swap3A_160 = tpu.vector_load %arg8[%swap3A_159] {strides = array<i32>} : memref<3072xi32, #tpu.memory_space<vmem>>, vector<16xi32>,
      tpu.vector_store %arg8[%swap3A_159], %add3A_154 {strides = array<i32>} : memref<3072xi32, #tpu.memory_space<vmem>>, vector<16xi32>,
      %swap3A_161 = arith.index_cast %mul3A_127 : i32 to index
      %swap3A_162 = tpu.vector_load %arg10[%swap3A_161] {strides = array<i32>} : memref<3072xi32, #tpu.memory_space<vmem>>, vector<16xi32>,
      tpu.vector_store %arg10[%swap3A_161], %mul3A_141 {strides = array<i32>} : memref<3072xi32, #tpu.memory_space<vmem>>, vector<16xi32>,
      %add3A_163 = arith.constant 1 : i32
      %add3A_164 = vector.broadcast %add3A_163 : i32 to vector<16xi32>
      %add3A_165 = arith.addi %mul3A_141, %add3A_164 : vector<16xi32>
      %mul3A_166 = arith.constant 16 : i32
      %mul3A_167 = arith.muli %scan3A_125, %mul3A_166 : i32
      %add3A_168 = arith.constant 1024 : i32
      %add3A_169 = arith.addi %add3A_168, %mul3A_167 : i32
      %swap3A_170 = arith.index_cast %add3A_169 : i32 to index
      %swap3A_171 = tpu.vector_load %arg10[%swap3A_170] {strides = array<i32>} : memref<3072xi32, #tpu.memory_space<vmem>>, vector<16xi32>,
      tpu.vector_store %arg10[%swap3A_170], %add3A_165 {strides = array<i32>} : memref<3072xi32, #tpu.memory_space<vmem>>, vector<16xi32>,
      %add3A_172 = arith.constant 2 : i32
      %add3A_173 = vector.broadcast %add3A_172 : i32 to vector<16xi32>
      %add3A_174 = arith.addi %mul3A_141, %add3A_173 : vector<16xi32>
      %mul3A_175 = arith.constant 16 : i32
      %mul3A_176 = arith.muli %scan3A_125, %mul3A_175 : i32
      %add3A_177 = arith.constant 2048 : i32
      %add3A_178 = arith.addi %add3A_177, %mul3A_176 : i32
      %swap3A_179 = arith.index_cast %add3A_178 : i32 to index
      %swap3A_180 = tpu.vector_load %arg10[%swap3A_179] {strides = array<i32>} : memref<3072xi32, #tpu.memory_space<vmem>>, vector<16xi32>,
      tpu.vector_store %arg10[%swap3A_179], %add3A_174 {strides = array<i32>} : memref<3072xi32, #tpu.memory_space<vmem>>, vector<16xi32>,
      %scan3A_181 = arith.constant 1 : i32
      %scan3A_182 = arith.addi %scan3A_125, %scan3A_181 : i32
      %mul3A_183 = arith.constant 16 : i32
      %mul3A_184 = arith.muli %scan3A_182, %mul3A_183 : i32
      %get3A_185 = arith.constant 0 : i32
      %get3A_186 = arith.index_cast %get3A_185 : i32 to index
      %get3A_187 = arith.index_cast %mul3A_184 : i32 to index
      %get3A_188 = tpu.vector_load %arg6[%get3A_186, %get3A_187] {strides = array<i32>} : memref<2x1024xi32, #tpu.memory_space<vmem>>, vector<16xi32>,
      %mul3A_189 = arith.constant 3 : i32
      %mul3A_190 = vector.broadcast %mul3A_189 : i32 to vector<16xi32>
      %mul3A_191 = arith.muli %get3A_188, %mul3A_190 : vector<16xi32>
      %get3A_192 = arith.constant 1 : i32
      %get3A_193 = arith.index_cast %get3A_192 : i32 to index
      %get3A_194 = arith.index_cast %mul3A_184 : i32 to index
      %get3A_195 = tpu.vector_load %arg6[%get3A_193, %get3A_194] {strides = array<i32>} : memref<2x1024xi32, #tpu.memory_space<vmem>>, vector<16xi32>,
      %mul3A_196 = arith.constant 3 : i32
      %mul3A_197 = vector.broadcast %mul3A_196 : i32 to vector<16xi32>
      %mul3A_198 = arith.muli %get3A_195, %mul3A_197 : vector<16xi32>
      %swap3A_199 = arith.index_cast %mul3A_184 : i32 to index
      %swap3A_200 = tpu.vector_load %arg8[%swap3A_199] {strides = array<i32>} : memref<3072xi32, #tpu.memory_space<vmem>>, vector<16xi32>,
      tpu.vector_store %arg8[%swap3A_199], %mul3A_191 {strides = array<i32>} : memref<3072xi32, #tpu.memory_space<vmem>>, vector<16xi32>,
      %add3A_201 = arith.constant 1 : i32
      %add3A_202 = vector.broadcast %add3A_201 : i32 to vector<16xi32>
      %add3A_203 = arith.addi %mul3A_191, %add3A_202 : vector<16xi32>
      %mul3A_204 = arith.constant 16 : i32
      %mul3A_205 = arith.muli %scan3A_182, %mul3A_204 : i32
      %add3A_206 = arith.constant 1024 : i32
      %add3A_207 = arith.addi %add3A_206, %mul3A_205 : i32
      %swap3A_208 = arith.index_cast %add3A_207 : i32 to index
      %swap3A_209 = tpu.vector_load %arg8[%swap3A_208] {strides = array<i32>} : memref<3072xi32, #tpu.memory_space<vmem>>, vector<16xi32>,
      tpu.vector_store %arg8[%swap3A_208], %add3A_203 {strides = array<i32>} : memref<3072xi32, #tpu.memory_space<vmem>>, vector<16xi32>,
      %add3A_210 = arith.constant 2 : i32
      %add3A_211 = vector.broadcast %add3A_210 : i32 to vector<16xi32>
      %add3A_212 = arith.addi %mul3A_191, %add3A_211 : vector<16xi32>
      %mul3A_213 = arith.constant 16 : i32
      %mul3A_214 = arith.muli %scan3A_182, %mul3A_213 : i32
      %add3A_215 = arith.constant 2048 : i32
      %add3A_216 = arith.addi %add3A_215, %mul3A_214 : i32
      %swap3A_217 = arith.index_cast %add3A_216 : i32 to index
      %swap3A_218 = tpu.vector_load %arg8[%swap3A_217] {strides = array<i32>} : memref<3072xi32, #tpu.memory_space<vmem>>, vector<16xi32>,
      tpu.vector_store %arg8[%swap3A_217], %add3A_212 {strides = array<i32>} : memref<3072xi32, #tpu.memory_space<vmem>>, vector<16xi32>,
      %swap3A_219 = arith.index_cast %mul3A_184 : i32 to index
      %swap3A_220 = tpu.vector_load %arg10[%swap3A_219] {strides = array<i32>} : memref<3072xi32, #tpu.memory_space<vmem>>, vector<16xi32>,
      tpu.vector_store %arg10[%swap3A_219], %mul3A_198 {strides = array<i32>} : memref<3072xi32, #tpu.memory_space<vmem>>, vector<16xi32>,
      %add3A_221 = arith.constant 1 : i32
      %add3A_222 = vector.broadcast %add3A_221 : i32 to vector<16xi32>
      %add3A_223 = arith.addi %mul3A_198, %add3A_222 : vector<16xi32>
      %mul3A_224 = arith.constant 16 : i32
      %mul3A_225 = arith.muli %scan3A_182, %mul3A_224 : i32
      %add3A_226 = arith.constant 1024 : i32
      %add3A_227 = arith.addi %add3A_226, %mul3A_225 : i32
      %swap3A_228 = arith.index_cast %add3A_227 : i32 to index
      %swap3A_229 = tpu.vector_load %arg10[%swap3A_228] {strides = array<i32>} : memref<3072xi32, #tpu.memory_space<vmem>>, vector<16xi32>,
      tpu.vector_store %arg10[%swap3A_228], %add3A_223 {strides = array<i32>} : memref<3072xi32, #tpu.memory_space<vmem>>, vector<16xi32>,
      %add3A_230 = arith.constant 2 : i32
      %add3A_231 = vector.broadcast %add3A_230 : i32 to vector<16xi32>
      %add3A_232 = arith.addi %mul3A_198, %add3A_231 : vector<16xi32>
      %mul3A_233 = arith.constant 16 : i32
      %mul3A_234 = arith.muli %scan3A_182, %mul3A_233 : i32
      %add3A_235 = arith.constant 2048 : i32
      %add3A_236 = arith.addi %add3A_235, %mul3A_234 : i32
      %swap3A_237 = arith.index_cast %add3A_236 : i32 to index
      %swap3A_238 = tpu.vector_load %arg10[%swap3A_237] {strides = array<i32>} : memref<3072xi32, #tpu.memory_space<vmem>>, vector<16xi32>,
      tpu.vector_store %arg10[%swap3A_237], %add3A_232 {strides = array<i32>} : memref<3072xi32, #tpu.memory_space<vmem>>, vector<16xi32>,
    }
    %scan3A_92 = arith.constant 64 : i32
    %dma_start3A = arith.constant 0 : i32
    %dma_start3A_93 = tpu.memref_slice %arg3[%dma_start3A] : memref<300000xf32, #tpu.memory_space<hbm>> -> memref<300000xf32, #tpu.memory_space<hbm>>
    tpu.enqueue_indirect_dma source(%dma_start3A_93 : memref<300000xf32, #tpu.memory_space<hbm>>) target(%arg12 : memref<3072xf32, #tpu.memory_space<vmem>>) offsets(%arg8 : memref<3072xi32, #tpu.memory_space<vmem>>) semaphore(%arg21 : memref<!tpu.dma_semaphore, #tpu.memory_space<semaphore_mem>>)
    %dma_start3A_94 = arith.constant 0 : i32
    %dma_start3A_95 = tpu.memref_slice %arg3[%dma_start3A_94] : memref<300000xf32, #tpu.memory_space<hbm>> -> memref<300000xf32, #tpu.memory_space<hbm>>
    tpu.enqueue_indirect_dma source(%dma_start3A_95 : memref<300000xf32, #tpu.memory_space<hbm>>) target(%arg14 : memref<3072xf32, #tpu.memory_space<vmem>>) offsets(%arg10 : memref<3072xi32, #tpu.memory_space<vmem>>) semaphore(%arg23 : memref<!tpu.dma_semaphore, #tpu.memory_space<semaphore_mem>>)
    %add3A_96 = arith.constant 32 : i32
    %add3A_97 = arith.addi %add3A_96, %add3A : i32
    %mul3A_98 = arith.constant 1024 : i32
    %mul3A_99 = arith.muli %add3A_97, %mul3A_98 : i32
    %dma_start3A_100 = arith.constant 0 : i32
    %dma_start3A_101 = tpu.memref_slice %arg2[%dma_start3A_100, %mul3A_99] : memref<2x3200000xi32, #tpu.memory_space<hbm>> -> memref<2x1024xi32, #tpu.memory_space<hbm>>
    %dma_start3A_102 = arith.constant 0 : i32
    %dma_start3A_103 = tpu.memref_slice %arg2[%dma_start3A_102, %mul3A_99] : memref<2x3200000xi32, #tpu.memory_space<hbm>> -> memref<2x1024xi32, #tpu.memory_space<hbm>>
    tpu.enqueue_dma source(%dma_start3A_103 : memref<2x1024xi32, #tpu.memory_space<hbm>>) target(%arg7 : memref<2x1024xi32, #tpu.memory_space<vmem>>) target_semaphore(%arg20 : memref<!tpu.dma_semaphore, #tpu.memory_space<semaphore_mem>>)
    %scan3A_104 = arith.constant 0 : i32
    %scan3A_105 = arith.constant 0 : i32
    %scan3A_106 = arith.constant 49 : i32
    %scan3A_107 = arith.addi %scan3A_105, %scan3A_106 : i32
    %scan3A_108 = arith.constant 1 : i32
    scf.for %scan3A_125 = %scan3A_105 to %scan3A_107 step %scan3A_108  : i32 {
      %mul3A_126 = arith.constant 2 : i32
      %mul3A_127 = arith.muli %mul3A_126, %scan3A_125 : i32
      %dma_wait3A_128 = arith.constant 0 : i32
      %dma_wait3A_129 = tpu.memref_slice %arg3[%dma_wait3A_128] : memref<300000xf32, #tpu.memory_space<hbm>> -> memref<300000xf32, #tpu.memory_space<hbm>>
      tpu.wait_indirect_dma semaphore(%arg21 : memref<!tpu.dma_semaphore, #tpu.memory_space<semaphore_mem>>) src(%dma_wait3A_129 : memref<300000xf32, #tpu.memory_space<hbm>>) dst(%arg12 : memref<3072xf32, #tpu.memory_space<vmem>>)
      %dma_wait3A_130 = arith.constant 0 : i32
      %dma_wait3A_131 = tpu.memref_slice %arg3[%dma_wait3A_130] : memref<300000xf32, #tpu.memory_space<hbm>> -> memref<300000xf32, #tpu.memory_space<hbm>>
      tpu.wait_indirect_dma semaphore(%arg23 : memref<!tpu.dma_semaphore, #tpu.memory_space<semaphore_mem>>) src(%dma_wait3A_131 : memref<300000xf32, #tpu.memory_space<hbm>>) dst(%arg14 : memref<3072xf32, #tpu.memory_space<vmem>>)
      %add3A_132 = arith.constant 1 : i32
      %add3A_133 = arith.addi %mul3A_127, %add3A_132 : i32
      %lt3A_134 = arith.cmpi slt, %add3A_133, %add3A_83 : i32
      %convert_element_type3A = arith.extui %lt3A_134 : i1 to i32
      %cond3A = arith.constant 0 : i32
      %cond3A_135 = arith.cmpi ne, %convert_element_type3A, %cond3A : i32
      scf.if %cond3A_135 {
        %add3A_169 = arith.constant 1 : i32
        %add3A_170 = arith.addi %mul3A_127, %add3A_169 : i32
        %mul3A_171 = arith.constant 32 : i32
        %mul3A_172 = arith.muli %add3A_170, %mul3A_171 : i32
        %add3A_173 = arith.addi %mul3A_172, %add3A : i32
        %mul3A_174 = arith.constant 1024 : i32
        %mul3A_175 = arith.muli %add3A_173, %mul3A_174 : i32
        %dma_wait3A_176 = arith.constant 0 : i32
        %dma_wait3A_177 = tpu.memref_slice %arg2[%dma_wait3A_176, %mul3A_175] : memref<2x3200000xi32, #tpu.memory_space<hbm>> -> memref<2x1024xi32, #tpu.memory_space<hbm>>
        %dma_wait3A_178 = arith.constant 0 : i32
        %dma_wait3A_179 = tpu.memref_slice %arg2[%dma_wait3A_178, %mul3A_175] : memref<2x3200000xi32, #tpu.memory_space<hbm>> -> memref<2x1024xi32, #tpu.memory_space<hbm>>
        tpu.wait_dma2 semaphore(%arg20 : memref<!tpu.dma_semaphore, #tpu.memory_space<semaphore_mem>>) src(%dma_wait3A_179 : memref<2x1024xi32, #tpu.memory_space<hbm>>) dst(%arg7 : memref<2x1024xi32, #tpu.memory_space<vmem>>)
        %scan3A_180 = arith.constant 0 : i32
        %scan3A_181 = arith.constant 0 : i32
        %scan3A_182 = arith.constant 64 : i32
        %scan3A_183 = arith.addi %scan3A_181, %scan3A_182 : i32
        %scan3A_184 = arith.constant 2 : i32
        scf.for %scan3A_190 = %scan3A_181 to %scan3A_183 step %scan3A_184  : i32 {
          %mul3A_191 = arith.constant 16 : i32
          %mul3A_192 = arith.muli %scan3A_190, %mul3A_191 : i32
          %get3A_193 = arith.constant 0 : i32
          %get3A_194 = arith.index_cast %get3A_193 : i32 to index
          %get3A_195 = arith.index_cast %mul3A_192 : i32 to index
          %get3A_196 = tpu.vector_load %arg7[%get3A_194, %get3A_195] {strides = array<i32>} : memref<2x1024xi32, #tpu.memory_space<vmem>>, vector<16xi32>,
          %mul3A_197 = arith.constant 3 : i32
          %mul3A_198 = vector.broadcast %mul3A_197 : i32 to vector<16xi32>
          %mul3A_199 = arith.muli %get3A_196, %mul3A_198 : vector<16xi32>
          %get3A_200 = arith.constant 1 : i32
          %get3A_201 = arith.index_cast %get3A_200 : i32 to index
          %get3A_202 = arith.index_cast %mul3A_192 : i32 to index
          %get3A_203 = tpu.vector_load %arg7[%get3A_201, %get3A_202] {strides = array<i32>} : memref<2x1024xi32, #tpu.memory_space<vmem>>, vector<16xi32>,
          %mul3A_204 = arith.constant 3 : i32
          %mul3A_205 = vector.broadcast %mul3A_204 : i32 to vector<16xi32>
          %mul3A_206 = arith.muli %get3A_203, %mul3A_205 : vector<16xi32>
          %swap3A = arith.index_cast %mul3A_192 : i32 to index
          %swap3A_207 = tpu.vector_load %arg9[%swap3A] {strides = array<i32>} : memref<3072xi32, #tpu.memory_space<vmem>>, vector<16xi32>,
          tpu.vector_store %arg9[%swap3A], %mul3A_199 {strides = array<i32>} : memref<3072xi32, #tpu.memory_space<vmem>>, vector<16xi32>,
          %add3A_208 = arith.constant 1 : i32
          %add3A_209 = vector.broadcast %add3A_208 : i32 to vector<16xi32>
          %add3A_210 = arith.addi %mul3A_199, %add3A_209 : vector<16xi32>
          %mul3A_211 = arith.constant 16 : i32
          %mul3A_212 = arith.muli %scan3A_190, %mul3A_211 : i32
          %add3A_213 = arith.constant 1024 : i32
          %add3A_214 = arith.addi %add3A_213, %mul3A_212 : i32
          %swap3A_215 = arith.index_cast %add3A_214 : i32 to index
          %swap3A_216 = tpu.vector_load %arg9[%swap3A_215] {strides = array<i32>} : memref<3072xi32, #tpu.memory_space<vmem>>, vector<16xi32>,
          tpu.vector_store %arg9[%swap3A_215], %add3A_210 {strides = array<i32>} : memref<3072xi32, #tpu.memory_space<vmem>>, vector<16xi32>,
          %add3A_217 = arith.constant 2 : i32
          %add3A_218 = vector.broadcast %add3A_217 : i32 to vector<16xi32>
          %add3A_219 = arith.addi %mul3A_199, %add3A_218 : vector<16xi32>
          %mul3A_220 = arith.constant 16 : i32
          %mul3A_221 = arith.muli %scan3A_190, %mul3A_220 : i32
          %add3A_222 = arith.constant 2048 : i32
          %add3A_223 = arith.addi %add3A_222, %mul3A_221 : i32
          %swap3A_224 = arith.index_cast %add3A_223 : i32 to index
          %swap3A_225 = tpu.vector_load %arg9[%swap3A_224] {strides = array<i32>} : memref<3072xi32, #tpu.memory_space<vmem>>, vector<16xi32>,
          tpu.vector_store %arg9[%swap3A_224], %add3A_219 {strides = array<i32>} : memref<3072xi32, #tpu.memory_space<vmem>>, vector<16xi32>,
          %swap3A_226 = arith.index_cast %mul3A_192 : i32 to index
          %swap3A_227 = tpu.vector_load %arg11[%swap3A_226] {strides = array<i32>} : memref<3072xi32, #tpu.memory_space<vmem>>, vector<16xi32>,
          tpu.vector_store %arg11[%swap3A_226], %mul3A_206 {strides = array<i32>} : memref<3072xi32, #tpu.memory_space<vmem>>, vector<16xi32>,
          %add3A_228 = arith.constant 1 : i32
          %add3A_229 = vector.broadcast %add3A_228 : i32 to vector<16xi32>
          %add3A_230 = arith.addi %mul3A_206, %add3A_229 : vector<16xi32>
          %mul3A_231 = arith.constant 16 : i32
          %mul3A_232 = arith.muli %scan3A_190, %mul3A_231 : i32
          %add3A_233 = arith.constant 1024 : i32
          %add3A_234 = arith.addi %add3A_233, %mul3A_232 : i32
          %swap3A_235 = arith.index_cast %add3A_234 : i32 to index
          %swap3A_236 = tpu.vector_load %arg11[%swap3A_235] {strides = array<i32>} : memref<3072xi32, #tpu.memory_space<vmem>>, vector<16xi32>,
          tpu.vector_store %arg11[%swap3A_235], %add3A_230 {strides = array<i32>} : memref<3072xi32, #tpu.memory_space<vmem>>, vector<16xi32>,
          %add3A_237 = arith.constant 2 : i32
          %add3A_238 = vector.broadcast %add3A_237 : i32 to vector<16xi32>
          %add3A_239 = arith.addi %mul3A_206, %add3A_238 : vector<16xi32>
          %mul3A_240 = arith.constant 16 : i32
          %mul3A_241 = arith.muli %scan3A_190, %mul3A_240 : i32
          %add3A_242 = arith.constant 2048 : i32
          %add3A_243 = arith.addi %add3A_242, %mul3A_241 : i32
          %swap3A_244 = arith.index_cast %add3A_243 : i32 to index
          %swap3A_245 = tpu.vector_load %arg11[%swap3A_244] {strides = array<i32>} : memref<3072xi32, #tpu.memory_space<vmem>>, vector<16xi32>,
          tpu.vector_store %arg11[%swap3A_244], %add3A_239 {strides = array<i32>} : memref<3072xi32, #tpu.memory_space<vmem>>, vector<16xi32>,
          %scan3A_246 = arith.constant 1 : i32
          %scan3A_247 = arith.addi %scan3A_190, %scan3A_246 : i32
          %mul3A_248 = arith.constant 16 : i32
          %mul3A_249 = arith.muli %scan3A_247, %mul3A_248 : i32
          %get3A_250 = arith.constant 0 : i32
          %get3A_251 = arith.index_cast %get3A_250 : i32 to index
          %get3A_252 = arith.index_cast %mul3A_249 : i32 to index
          %get3A_253 = tpu.vector_load %arg7[%get3A_251, %get3A_252] {strides = array<i32>} : memref<2x1024xi32, #tpu.memory_space<vmem>>, vector<16xi32>,
          %mul3A_254 = arith.constant 3 : i32
          %mul3A_255 = vector.broadcast %mul3A_254 : i32 to vector<16xi32>
          %mul3A_256 = arith.muli %get3A_253, %mul3A_255 : vector<16xi32>
          %get3A_257 = arith.constant 1 : i32
          %get3A_258 = arith.index_cast %get3A_257 : i32 to index
          %get3A_259 = arith.index_cast %mul3A_249 : i32 to index
          %get3A_260 = tpu.vector_load %arg7[%get3A_258, %get3A_259] {strides = array<i32>} : memref<2x1024xi32, #tpu.memory_space<vmem>>, vector<16xi32>,
          %mul3A_261 = arith.constant 3 : i32
          %mul3A_262 = vector.broadcast %mul3A_261 : i32 to vector<16xi32>
          %mul3A_263 = arith.muli %get3A_260, %mul3A_262 : vector<16xi32>
          %swap3A_264 = arith.index_cast %mul3A_249 : i32 to index
          %swap3A_265 = tpu.vector_load %arg9[%swap3A_264] {strides = array<i32>} : memref<3072xi32, #tpu.memory_space<vmem>>, vector<16xi32>,
          tpu.vector_store %arg9[%swap3A_264], %mul3A_256 {strides = array<i32>} : memref<3072xi32, #tpu.memory_space<vmem>>, vector<16xi32>,
          %add3A_266 = arith.constant 1 : i32
          %add3A_267 = vector.broadcast %add3A_266 : i32 to vector<16xi32>
          %add3A_268 = arith.addi %mul3A_256, %add3A_267 : vector<16xi32>
          %mul3A_269 = arith.constant 16 : i32
          %mul3A_270 = arith.muli %scan3A_247, %mul3A_269 : i32
          %add3A_271 = arith.constant 1024 : i32
          %add3A_272 = arith.addi %add3A_271, %mul3A_270 : i32
          %swap3A_273 = arith.index_cast %add3A_272 : i32 to index
          %swap3A_274 = tpu.vector_load %arg9[%swap3A_273] {strides = array<i32>} : memref<3072xi32, #tpu.memory_space<vmem>>, vector<16xi32>,
          tpu.vector_store %arg9[%swap3A_273], %add3A_268 {strides = array<i32>} : memref<3072xi32, #tpu.memory_space<vmem>>, vector<16xi32>,
          %add3A_275 = arith.constant 2 : i32
          %add3A_276 = vector.broadcast %add3A_275 : i32 to vector<16xi32>
          %add3A_277 = arith.addi %mul3A_256, %add3A_276 : vector<16xi32>
          %mul3A_278 = arith.constant 16 : i32
          %mul3A_279 = arith.muli %scan3A_247, %mul3A_278 : i32
          %add3A_280 = arith.constant 2048 : i32
          %add3A_281 = arith.addi %add3A_280, %mul3A_279 : i32
          %swap3A_282 = arith.index_cast %add3A_281 : i32 to index
          %swap3A_283 = tpu.vector_load %arg9[%swap3A_282] {strides = array<i32>} : memref<3072xi32, #tpu.memory_space<vmem>>, vector<16xi32>,
          tpu.vector_store %arg9[%swap3A_282], %add3A_277 {strides = array<i32>} : memref<3072xi32, #tpu.memory_space<vmem>>, vector<16xi32>,
          %swap3A_284 = arith.index_cast %mul3A_249 : i32 to index
          %swap3A_285 = tpu.vector_load %arg11[%swap3A_284] {strides = array<i32>} : memref<3072xi32, #tpu.memory_space<vmem>>, vector<16xi32>,
          tpu.vector_store %arg11[%swap3A_284], %mul3A_263 {strides = array<i32>} : memref<3072xi32, #tpu.memory_space<vmem>>, vector<16xi32>,
          %add3A_286 = arith.constant 1 : i32
          %add3A_287 = vector.broadcast %add3A_286 : i32 to vector<16xi32>
          %add3A_288 = arith.addi %mul3A_263, %add3A_287 : vector<16xi32>
          %mul3A_289 = arith.constant 16 : i32
          %mul3A_290 = arith.muli %scan3A_247, %mul3A_289 : i32
          %add3A_291 = arith.constant 1024 : i32
          %add3A_292 = arith.addi %add3A_291, %mul3A_290 : i32
          %swap3A_293 = arith.index_cast %add3A_292 : i32 to index
          %swap3A_294 = tpu.vector_load %arg11[%swap3A_293] {strides = array<i32>} : memref<3072xi32, #tpu.memory_space<vmem>>, vector<16xi32>,
          tpu.vector_store %arg11[%swap3A_293], %add3A_288 {strides = array<i32>} : memref<3072xi32, #tpu.memory_space<vmem>>, vector<16xi32>,
          %add3A_295 = arith.constant 2 : i32
          %add3A_296 = vector.broadcast %add3A_295 : i32 to vector<16xi32>
          %add3A_297 = arith.addi %mul3A_263, %add3A_296 : vector<16xi32>
          %mul3A_298 = arith.constant 16 : i32
          %mul3A_299 = arith.muli %scan3A_247, %mul3A_298 : i32
          %add3A_300 = arith.constant 2048 : i32
          %add3A_301 = arith.addi %add3A_300, %mul3A_299 : i32
          %swap3A_302 = arith.index_cast %add3A_301 : i32 to index
          %swap3A_303 = tpu.vector_load %arg11[%swap3A_302] {strides = array<i32>} : memref<3072xi32, #tpu.memory_space<vmem>>, vector<16xi32>,
          tpu.vector_store %arg11[%swap3A_302], %add3A_297 {strides = array<i32>} : memref<3072xi32, #tpu.memory_space<vmem>>, vector<16xi32>,
        }
        %scan3A_185 = arith.constant 64 : i32
        %dma_start3A_186 = arith.constant 0 : i32
        %dma_start3A_187 = tpu.memref_slice %arg3[%dma_start3A_186] : memref<300000xf32, #tpu.memory_space<hbm>> -> memref<300000xf32, #tpu.memory_space<hbm>>
        tpu.enqueue_indirect_dma source(%dma_start3A_187 : memref<300000xf32, #tpu.memory_space<hbm>>) target(%arg13 : memref<3072xf32, #tpu.memory_space<vmem>>) offsets(%arg9 : memref<3072xi32, #tpu.memory_space<vmem>>) semaphore(%arg22 : memref<!tpu.dma_semaphore, #tpu.memory_space<semaphore_mem>>)
        %dma_start3A_188 = arith.constant 0 : i32
        %dma_start3A_189 = tpu.memref_slice %arg3[%dma_start3A_188] : memref<300000xf32, #tpu.memory_space<hbm>> -> memref<300000xf32, #tpu.memory_space<hbm>>
        tpu.enqueue_indirect_dma source(%dma_start3A_189 : memref<300000xf32, #tpu.memory_space<hbm>>) target(%arg15 : memref<3072xf32, #tpu.memory_space<vmem>>) offsets(%arg11 : memref<3072xi32, #tpu.memory_space<vmem>>) semaphore(%arg24 : memref<!tpu.dma_semaphore, #tpu.memory_space<semaphore_mem>>)
      } else {
      }
      %add3A_136 = arith.constant 2 : i32
      %add3A_137 = arith.addi %mul3A_127, %add3A_136 : i32
      %lt3A_138 = arith.cmpi slt, %add3A_137, %add3A_83 : i32
      %convert_element_type3A_139 = arith.extui %lt3A_138 : i1 to i32
      %cond3A_140 = arith.constant 0 : i32
      %cond3A_141 = arith.cmpi ne, %convert_element_type3A_139, %cond3A_140 : i32
      scf.if %cond3A_141 {
        %add3A_169 = arith.constant 2 : i32
        %add3A_170 = arith.addi %mul3A_127, %add3A_169 : i32
        %mul3A_171 = arith.constant 32 : i32
        %mul3A_172 = arith.muli %add3A_170, %mul3A_171 : i32
        %add3A_173 = arith.addi %mul3A_172, %add3A : i32
        %mul3A_174 = arith.constant 1024 : i32
        %mul3A_175 = arith.muli %add3A_173, %mul3A_174 : i32
        %dma_start3A_176 = arith.constant 0 : i32
        %dma_start3A_177 = tpu.memref_slice %arg2[%dma_start3A_176, %mul3A_175] : memref<2x3200000xi32, #tpu.memory_space<hbm>> -> memref<2x1024xi32, #tpu.memory_space<hbm>>
        %dma_start3A_178 = arith.constant 0 : i32
        %dma_start3A_179 = tpu.memref_slice %arg2[%dma_start3A_178, %mul3A_175] : memref<2x3200000xi32, #tpu.memory_space<hbm>> -> memref<2x1024xi32, #tpu.memory_space<hbm>>
        tpu.enqueue_dma source(%dma_start3A_179 : memref<2x1024xi32, #tpu.memory_space<hbm>>) target(%arg6 : memref<2x1024xi32, #tpu.memory_space<vmem>>) target_semaphore(%arg19 : memref<!tpu.dma_semaphore, #tpu.memory_space<semaphore_mem>>)
      } else {
      }
      %ge3A = arith.constant 2 : i32
      %ge3A_142 = arith.cmpi sge, %mul3A_127, %ge3A : i32
      %convert_element_type3A_143 = arith.extui %ge3A_142 : i1 to i32
      %cond3A_144 = arith.constant 0 : i32
      %cond3A_145 = arith.cmpi ne, %convert_element_type3A_143, %cond3A_144 : i32
      scf.if %cond3A_145 {
        %sub3A = arith.constant 2 : i32
        %sub3A_169 = arith.subi %mul3A_127, %sub3A : i32
        %mul3A_170 = arith.constant 32 : i32
        %mul3A_171 = arith.muli %sub3A_169, %mul3A_170 : i32
        %add3A_172 = arith.addi %mul3A_171, %add3A : i32
        %mul3A_173 = arith.constant 1024 : i32
        %mul3A_174 = arith.muli %add3A_172, %mul3A_173 : i32
        %dma_wait3A_175 = arith.constant 0 : i32
        %dma_wait3A_176 = tpu.memref_slice %arg5[%dma_wait3A_175, %mul3A_174] : memref<10x3200000xf32, #tpu.memory_space<hbm>> -> memref<10x1024xf32, #tpu.memory_space<hbm>>
        %dma_wait3A_177 = arith.constant 0 : i32
        %dma_wait3A_178 = tpu.memref_slice %arg5[%dma_wait3A_177, %mul3A_174] : memref<10x3200000xf32, #tpu.memory_space<hbm>> -> memref<10x1024xf32, #tpu.memory_space<hbm>>
        tpu.wait_dma2 semaphore(%arg25 : memref<!tpu.dma_semaphore, #tpu.memory_space<semaphore_mem>>) src(%arg16 : memref<10x1024xf32, #tpu.memory_space<vmem>>) dst(%dma_wait3A_178 : memref<10x1024xf32, #tpu.memory_space<hbm>>)
      } else {
      }
      %scan3A_146 = arith.constant 0 : i32
      %scan3A_147 = arith.constant 0 : i32
      %scan3A_148 = arith.constant 64 : i32
      %scan3A_149 = arith.addi %scan3A_147, %scan3A_148 : i32
      %scan3A_150 = arith.constant 2 : i32
      scf.for %scan3A_169 = %scan3A_147 to %scan3A_149 step %scan3A_150  : i32 {
        %mul3A_170 = arith.constant 16 : i32
        %mul3A_171 = arith.muli %scan3A_169, %mul3A_170 : i32
        %mul3A_172 = arith.constant 16 : i32
        %mul3A_173 = arith.muli %scan3A_169, %mul3A_172 : i32
        %add3A_174 = arith.constant 1024 : i32
        %add3A_175 = arith.addi %add3A_174, %mul3A_173 : i32
        %mul3A_176 = arith.constant 16 : i32
        %mul3A_177 = arith.muli %scan3A_169, %mul3A_176 : i32
        %add3A_178 = arith.constant 2048 : i32
        %add3A_179 = arith.addi %add3A_178, %mul3A_177 : i32
        %get3A_180 = arith.index_cast %mul3A_171 : i32 to index
        %get3A_181 = tpu.vector_load %arg12[%get3A_180] {strides = array<i32>} : memref<3072xf32, #tpu.memory_space<vmem>>, vector<16xf32>,
        %get3A_182 = arith.index_cast %mul3A_171 : i32 to index
        %get3A_183 = tpu.vector_load %arg14[%get3A_182] {strides = array<i32>} : memref<3072xf32, #tpu.memory_space<vmem>>, vector<16xf32>,
        %sub3A = arith.subf %get3A_181, %get3A_183 : vector<16xf32>
        %get3A_184 = arith.index_cast %add3A_175 : i32 to index
        %get3A_185 = tpu.vector_load %arg12[%get3A_184] {strides = array<i32>} : memref<3072xf32, #tpu.memory_space<vmem>>, vector<16xf32>,
        %get3A_186 = arith.index_cast %add3A_175 : i32 to index
        %get3A_187 = tpu.vector_load %arg14[%get3A_186] {strides = array<i32>} : memref<3072xf32, #tpu.memory_space<vmem>>, vector<16xf32>,
        %sub3A_188 = arith.subf %get3A_185, %get3A_187 : vector<16xf32>
        %get3A_189 = arith.index_cast %add3A_179 : i32 to index
        %get3A_190 = tpu.vector_load %arg12[%get3A_189] {strides = array<i32>} : memref<3072xf32, #tpu.memory_space<vmem>>, vector<16xf32>,
        %get3A_191 = arith.index_cast %add3A_179 : i32 to index
        %get3A_192 = tpu.vector_load %arg14[%get3A_191] {strides = array<i32>} : memref<3072xf32, #tpu.memory_space<vmem>>, vector<16xf32>,
        %sub3A_193 = arith.subf %get3A_190, %get3A_192 : vector<16xf32>
        %mul3A_194 = arith.mulf %sub3A, %sub3A : vector<16xf32>
        %mul3A_195 = arith.mulf %sub3A_188, %sub3A_188 : vector<16xf32>
        %add3A_196 = arith.addf %mul3A_194, %mul3A_195 : vector<16xf32>
        %mul3A_197 = arith.mulf %sub3A_193, %sub3A_193 : vector<16xf32>
        %add3A_198 = arith.addf %add3A_196, %mul3A_197 : vector<16xf32>
        %max3A = arith.constant 1.000000e-30 : f32
        %max3A_199 = vector.broadcast %max3A : f32 to vector<16xf32>
        %max3A_200 = arith.maximumf %add3A_198, %max3A_199 : vector<16xf32>
        %bitcast_convert_type3A = tpu.bitcast %max3A_200 : vector<16xf32> -> vector<16xi32>
        %shift_right_logical3A = arith.constant 1 : i32
        %shift_right_logical3A_201 = vector.broadcast %shift_right_logical3A : i32 to vector<16xi32>
        %shift_right_logical3A_202 = arith.shrui %bitcast_convert_type3A, %shift_right_logical3A_201 : vector<16xi32>
        %sub3A_203 = arith.constant 1597463007 : i32
        %sub3A_204 = vector.broadcast %sub3A_203 : i32 to vector<16xi32>
        %sub3A_205 = arith.subi %sub3A_204, %shift_right_logical3A_202 : vector<16xi32>
        %bitcast_convert_type3A_206 = tpu.bitcast %sub3A_205 : vector<16xi32> -> vector<16xf32>
        %mul3A_207 = arith.constant 5.000000e-01 : f32
        %mul3A_208 = vector.broadcast %mul3A_207 : f32 to vector<16xf32>
        %mul3A_209 = arith.mulf %mul3A_208, %max3A_200 : vector<16xf32>
        %mul3A_210 = arith.mulf %mul3A_209, %bitcast_convert_type3A_206 : vector<16xf32>
        %mul3A_211 = arith.mulf %mul3A_210, %bitcast_convert_type3A_206 : vector<16xf32>
        %sub3A_212 = arith.constant 1.500000e+00 : f32
        %sub3A_213 = vector.broadcast %sub3A_212 : f32 to vector<16xf32>
        %sub3A_214 = arith.subf %sub3A_213, %mul3A_211 : vector<16xf32>
        %mul3A_215 = arith.mulf %bitcast_convert_type3A_206, %sub3A_214 : vector<16xf32>
        %mul3A_216 = arith.mulf %mul3A_209, %mul3A_215 : vector<16xf32>
        %mul3A_217 = arith.mulf %mul3A_216, %mul3A_215 : vector<16xf32>
        %sub3A_218 = arith.constant 1.500000e+00 : f32
        %sub3A_219 = vector.broadcast %sub3A_218 : f32 to vector<16xf32>
        %sub3A_220 = arith.subf %sub3A_219, %mul3A_217 : vector<16xf32>
        %mul3A_221 = arith.mulf %mul3A_215, %sub3A_220 : vector<16xf32>
        %mul3A_222 = arith.mulf %mul3A_209, %mul3A_221 : vector<16xf32>
        %mul3A_223 = arith.mulf %mul3A_222, %mul3A_221 : vector<16xf32>
        %sub3A_224 = arith.constant 1.500000e+00 : f32
        %sub3A_225 = vector.broadcast %sub3A_224 : f32 to vector<16xf32>
        %sub3A_226 = arith.subf %sub3A_225, %mul3A_223 : vector<16xf32>
        %mul3A_227 = arith.mulf %mul3A_221, %sub3A_226 : vector<16xf32>
        %mul3A_228 = arith.mulf %max3A_200, %mul3A_227 : vector<16xf32>
        %sub3A_229 = arith.subf %mul3A_228, %get3A_3 : vector<16xf32>
        %mul3A_230 = arith.mulf %sub3A_229, %sub3A_229 : vector<16xf32>
        %mul3A_231 = arith.mulf %mul3A_230, %get3A_43 : vector<16xf32>
        %exp3A = math.exp %mul3A_231 : vector<16xf32>
        %swap3A = arith.constant 0 : i32
        %swap3A_232 = arith.index_cast %swap3A : i32 to index
        %swap3A_233 = arith.index_cast %mul3A_171 : i32 to index
        %swap3A_234 = tpu.vector_load %arg16[%swap3A_232, %swap3A_233] {strides = array<i32>} : memref<10x1024xf32, #tpu.memory_space<vmem>>, vector<16xf32>,
        tpu.vector_store %arg16[%swap3A_232, %swap3A_233], %exp3A {strides = array<i32>} : memref<10x1024xf32, #tpu.memory_space<vmem>>, vector<16xf32>,
        %sub3A_235 = arith.subf %mul3A_228, %get3A_7 : vector<16xf32>
        %mul3A_236 = arith.mulf %sub3A_235, %sub3A_235 : vector<16xf32>
        %mul3A_237 = arith.mulf %mul3A_236, %get3A_47 : vector<16xf32>
        %exp3A_238 = math.exp %mul3A_237 : vector<16xf32>
        %swap3A_239 = arith.constant 1 : i32
        %swap3A_240 = arith.index_cast %swap3A_239 : i32 to index
        %swap3A_241 = arith.index_cast %mul3A_171 : i32 to index
        %swap3A_242 = tpu.vector_load %arg16[%swap3A_240, %swap3A_241] {strides = array<i32>} : memref<10x1024xf32, #tpu.memory_space<vmem>>, vector<16xf32>,
        tpu.vector_store %arg16[%swap3A_240, %swap3A_241], %exp3A_238 {strides = array<i32>} : memref<10x1024xf32, #tpu.memory_space<vmem>>, vector<16xf32>,
        %sub3A_243 = arith.subf %mul3A_228, %get3A_11 : vector<16xf32>
        %mul3A_244 = arith.mulf %sub3A_243, %sub3A_243 : vector<16xf32>
        %mul3A_245 = arith.mulf %mul3A_244, %get3A_51 : vector<16xf32>
        %exp3A_246 = math.exp %mul3A_245 : vector<16xf32>
        %swap3A_247 = arith.constant 2 : i32
        %swap3A_248 = arith.index_cast %swap3A_247 : i32 to index
        %swap3A_249 = arith.index_cast %mul3A_171 : i32 to index
        %swap3A_250 = tpu.vector_load %arg16[%swap3A_248, %swap3A_249] {strides = array<i32>} : memref<10x1024xf32, #tpu.memory_space<vmem>>, vector<16xf32>,
        tpu.vector_store %arg16[%swap3A_248, %swap3A_249], %exp3A_246 {strides = array<i32>} : memref<10x1024xf32, #tpu.memory_space<vmem>>, vector<16xf32>,
        %sub3A_251 = arith.subf %mul3A_228, %get3A_15 : vector<16xf32>
        %mul3A_252 = arith.mulf %sub3A_251, %sub3A_251 : vector<16xf32>
        %mul3A_253 = arith.mulf %mul3A_252, %get3A_55 : vector<16xf32>
        %exp3A_254 = math.exp %mul3A_253 : vector<16xf32>
        %swap3A_255 = arith.constant 3 : i32
        %swap3A_256 = arith.index_cast %swap3A_255 : i32 to index
        %swap3A_257 = arith.index_cast %mul3A_171 : i32 to index
        %swap3A_258 = tpu.vector_load %arg16[%swap3A_256, %swap3A_257] {strides = array<i32>} : memref<10x1024xf32, #tpu.memory_space<vmem>>, vector<16xf32>,
        tpu.vector_store %arg16[%swap3A_256, %swap3A_257], %exp3A_254 {strides = array<i32>} : memref<10x1024xf32, #tpu.memory_space<vmem>>, vector<16xf32>,
        %sub3A_259 = arith.subf %mul3A_228, %get3A_19 : vector<16xf32>
        %mul3A_260 = arith.mulf %sub3A_259, %sub3A_259 : vector<16xf32>
        %mul3A_261 = arith.mulf %mul3A_260, %get3A_59 : vector<16xf32>
        %exp3A_262 = math.exp %mul3A_261 : vector<16xf32>
        %swap3A_263 = arith.constant 4 : i32
        %swap3A_264 = arith.index_cast %swap3A_263 : i32 to index
        %swap3A_265 = arith.index_cast %mul3A_171 : i32 to index
        %swap3A_266 = tpu.vector_load %arg16[%swap3A_264, %swap3A_265] {strides = array<i32>} : memref<10x1024xf32, #tpu.memory_space<vmem>>, vector<16xf32>,
        tpu.vector_store %arg16[%swap3A_264, %swap3A_265], %exp3A_262 {strides = array<i32>} : memref<10x1024xf32, #tpu.memory_space<vmem>>, vector<16xf32>,
        %sub3A_267 = arith.subf %mul3A_228, %get3A_23 : vector<16xf32>
        %mul3A_268 = arith.mulf %sub3A_267, %sub3A_267 : vector<16xf32>
        %mul3A_269 = arith.mulf %mul3A_268, %get3A_63 : vector<16xf32>
        %exp3A_270 = math.exp %mul3A_269 : vector<16xf32>
        %swap3A_271 = arith.constant 5 : i32
        %swap3A_272 = arith.index_cast %swap3A_271 : i32 to index
        %swap3A_273 = arith.index_cast %mul3A_171 : i32 to index
        %swap3A_274 = tpu.vector_load %arg16[%swap3A_272, %swap3A_273] {strides = array<i32>} : memref<10x1024xf32, #tpu.memory_space<vmem>>, vector<16xf32>,
        tpu.vector_store %arg16[%swap3A_272, %swap3A_273], %exp3A_270 {strides = array<i32>} : memref<10x1024xf32, #tpu.memory_space<vmem>>, vector<16xf32>,
        %sub3A_275 = arith.subf %mul3A_228, %get3A_27 : vector<16xf32>
        %mul3A_276 = arith.mulf %sub3A_275, %sub3A_275 : vector<16xf32>
        %mul3A_277 = arith.mulf %mul3A_276, %get3A_67 : vector<16xf32>
        %exp3A_278 = math.exp %mul3A_277 : vector<16xf32>
        %swap3A_279 = arith.constant 6 : i32
        %swap3A_280 = arith.index_cast %swap3A_279 : i32 to index
        %swap3A_281 = arith.index_cast %mul3A_171 : i32 to index
        %swap3A_282 = tpu.vector_load %arg16[%swap3A_280, %swap3A_281] {strides = array<i32>} : memref<10x1024xf32, #tpu.memory_space<vmem>>, vector<16xf32>,
        tpu.vector_store %arg16[%swap3A_280, %swap3A_281], %exp3A_278 {strides = array<i32>} : memref<10x1024xf32, #tpu.memory_space<vmem>>, vector<16xf32>,
        %sub3A_283 = arith.subf %mul3A_228, %get3A_31 : vector<16xf32>
        %mul3A_284 = arith.mulf %sub3A_283, %sub3A_283 : vector<16xf32>
        %mul3A_285 = arith.mulf %mul3A_284, %get3A_71 : vector<16xf32>
        %exp3A_286 = math.exp %mul3A_285 : vector<16xf32>
        %swap3A_287 = arith.constant 7 : i32
        %swap3A_288 = arith.index_cast %swap3A_287 : i32 to index
        %swap3A_289 = arith.index_cast %mul3A_171 : i32 to index
        %swap3A_290 = tpu.vector_load %arg16[%swap3A_288, %swap3A_289] {strides = array<i32>} : memref<10x1024xf32, #tpu.memory_space<vmem>>, vector<16xf32>,
        tpu.vector_store %arg16[%swap3A_288, %swap3A_289], %exp3A_286 {strides = array<i32>} : memref<10x1024xf32, #tpu.memory_space<vmem>>, vector<16xf32>,
        %sub3A_291 = arith.subf %mul3A_228, %get3A_35 : vector<16xf32>
        %mul3A_292 = arith.mulf %sub3A_291, %sub3A_291 : vector<16xf32>
        %mul3A_293 = arith.mulf %mul3A_292, %get3A_75 : vector<16xf32>
        %exp3A_294 = math.exp %mul3A_293 : vector<16xf32>
        %swap3A_295 = arith.constant 8 : i32
        %swap3A_296 = arith.index_cast %swap3A_295 : i32 to index
        %swap3A_297 = arith.index_cast %mul3A_171 : i32 to index
        %swap3A_298 = tpu.vector_load %arg16[%swap3A_296, %swap3A_297] {strides = array<i32>} : memref<10x1024xf32, #tpu.memory_space<vmem>>, vector<16xf32>,
        tpu.vector_store %arg16[%swap3A_296, %swap3A_297], %exp3A_294 {strides = array<i32>} : memref<10x1024xf32, #tpu.memory_space<vmem>>, vector<16xf32>,
        %sub3A_299 = arith.subf %mul3A_228, %get3A_39 : vector<16xf32>
        %mul3A_300 = arith.mulf %sub3A_299, %sub3A_299 : vector<16xf32>
        %mul3A_301 = arith.mulf %mul3A_300, %get3A_79 : vector<16xf32>
        %exp3A_302 = math.exp %mul3A_301 : vector<16xf32>
        %swap3A_303 = arith.constant 9 : i32
        %swap3A_304 = arith.index_cast %swap3A_303 : i32 to index
        %swap3A_305 = arith.index_cast %mul3A_171 : i32 to index
        %swap3A_306 = tpu.vector_load %arg16[%swap3A_304, %swap3A_305] {strides = array<i32>} : memref<10x1024xf32, #tpu.memory_space<vmem>>, vector<16xf32>,
        tpu.vector_store %arg16[%swap3A_304, %swap3A_305], %exp3A_302 {strides = array<i32>} : memref<10x1024xf32, #tpu.memory_space<vmem>>, vector<16xf32>,
        %scan3A_307 = arith.constant 1 : i32
        %scan3A_308 = arith.addi %scan3A_169, %scan3A_307 : i32
        %mul3A_309 = arith.constant 16 : i32
        %mul3A_310 = arith.muli %scan3A_308, %mul3A_309 : i32
        %mul3A_311 = arith.constant 16 : i32
        %mul3A_312 = arith.muli %scan3A_308, %mul3A_311 : i32
        %add3A_313 = arith.constant 1024 : i32
        %add3A_314 = arith.addi %add3A_313, %mul3A_312 : i32
        %mul3A_315 = arith.constant 16 : i32
        %mul3A_316 = arith.muli %scan3A_308, %mul3A_315 : i32
        %add3A_317 = arith.constant 2048 : i32
        %add3A_318 = arith.addi %add3A_317, %mul3A_316 : i32
        %get3A_319 = arith.index_cast %mul3A_310 : i32 to index
        %get3A_320 = tpu.vector_load %arg12[%get3A_319] {strides = array<i32>} : memref<3072xf32, #tpu.memory_space<vmem>>, vector<16xf32>,
        %get3A_321 = arith.index_cast %mul3A_310 : i32 to index
        %get3A_322 = tpu.vector_load %arg14[%get3A_321] {strides = array<i32>} : memref<3072xf32, #tpu.memory_space<vmem>>, vector<16xf32>,
        %sub3A_323 = arith.subf %get3A_320, %get3A_322 : vector<16xf32>
        %get3A_324 = arith.index_cast %add3A_314 : i32 to index
        %get3A_325 = tpu.vector_load %arg12[%get3A_324] {strides = array<i32>} : memref<3072xf32, #tpu.memory_space<vmem>>, vector<16xf32>,
        %get3A_326 = arith.index_cast %add3A_314 : i32 to index
        %get3A_327 = tpu.vector_load %arg14[%get3A_326] {strides = array<i32>} : memref<3072xf32, #tpu.memory_space<vmem>>, vector<16xf32>,
        %sub3A_328 = arith.subf %get3A_325, %get3A_327 : vector<16xf32>
        %get3A_329 = arith.index_cast %add3A_318 : i32 to index
        %get3A_330 = tpu.vector_load %arg12[%get3A_329] {strides = array<i32>} : memref<3072xf32, #tpu.memory_space<vmem>>, vector<16xf32>,
        %get3A_331 = arith.index_cast %add3A_318 : i32 to index
        %get3A_332 = tpu.vector_load %arg14[%get3A_331] {strides = array<i32>} : memref<3072xf32, #tpu.memory_space<vmem>>, vector<16xf32>,
        %sub3A_333 = arith.subf %get3A_330, %get3A_332 : vector<16xf32>
        %mul3A_334 = arith.mulf %sub3A_323, %sub3A_323 : vector<16xf32>
        %mul3A_335 = arith.mulf %sub3A_328, %sub3A_328 : vector<16xf32>
        %add3A_336 = arith.addf %mul3A_334, %mul3A_335 : vector<16xf32>
        %mul3A_337 = arith.mulf %sub3A_333, %sub3A_333 : vector<16xf32>
        %add3A_338 = arith.addf %add3A_336, %mul3A_337 : vector<16xf32>
        %max3A_339 = arith.constant 1.000000e-30 : f32
        %max3A_340 = vector.broadcast %max3A_339 : f32 to vector<16xf32>
        %max3A_341 = arith.maximumf %add3A_338, %max3A_340 : vector<16xf32>
        %bitcast_convert_type3A_342 = tpu.bitcast %max3A_341 : vector<16xf32> -> vector<16xi32>
        %shift_right_logical3A_343 = arith.constant 1 : i32
        %shift_right_logical3A_344 = vector.broadcast %shift_right_logical3A_343 : i32 to vector<16xi32>
        %shift_right_logical3A_345 = arith.shrui %bitcast_convert_type3A_342, %shift_right_logical3A_344 : vector<16xi32>
        %sub3A_346 = arith.constant 1597463007 : i32
        %sub3A_347 = vector.broadcast %sub3A_346 : i32 to vector<16xi32>
        %sub3A_348 = arith.subi %sub3A_347, %shift_right_logical3A_345 : vector<16xi32>
        %bitcast_convert_type3A_349 = tpu.bitcast %sub3A_348 : vector<16xi32> -> vector<16xf32>
        %mul3A_350 = arith.constant 5.000000e-01 : f32
        %mul3A_351 = vector.broadcast %mul3A_350 : f32 to vector<16xf32>
        %mul3A_352 = arith.mulf %mul3A_351, %max3A_341 : vector<16xf32>
        %mul3A_353 = arith.mulf %mul3A_352, %bitcast_convert_type3A_349 : vector<16xf32>
        %mul3A_354 = arith.mulf %mul3A_353, %bitcast_convert_type3A_349 : vector<16xf32>
        %sub3A_355 = arith.constant 1.500000e+00 : f32
        %sub3A_356 = vector.broadcast %sub3A_355 : f32 to vector<16xf32>
        %sub3A_357 = arith.subf %sub3A_356, %mul3A_354 : vector<16xf32>
        %mul3A_358 = arith.mulf %bitcast_convert_type3A_349, %sub3A_357 : vector<16xf32>
        %mul3A_359 = arith.mulf %mul3A_352, %mul3A_358 : vector<16xf32>
        %mul3A_360 = arith.mulf %mul3A_359, %mul3A_358 : vector<16xf32>
        %sub3A_361 = arith.constant 1.500000e+00 : f32
        %sub3A_362 = vector.broadcast %sub3A_361 : f32 to vector<16xf32>
        %sub3A_363 = arith.subf %sub3A_362, %mul3A_360 : vector<16xf32>
        %mul3A_364 = arith.mulf %mul3A_358, %sub3A_363 : vector<16xf32>
        %mul3A_365 = arith.mulf %mul3A_352, %mul3A_364 : vector<16xf32>
        %mul3A_366 = arith.mulf %mul3A_365, %mul3A_364 : vector<16xf32>
        %sub3A_367 = arith.constant 1.500000e+00 : f32
        %sub3A_368 = vector.broadcast %sub3A_367 : f32 to vector<16xf32>
        %sub3A_369 = arith.subf %sub3A_368, %mul3A_366 : vector<16xf32>
        %mul3A_370 = arith.mulf %mul3A_364, %sub3A_369 : vector<16xf32>
        %mul3A_371 = arith.mulf %max3A_341, %mul3A_370 : vector<16xf32>
        %sub3A_372 = arith.subf %mul3A_371, %get3A_3 : vector<16xf32>
        %mul3A_373 = arith.mulf %sub3A_372, %sub3A_372 : vector<16xf32>
        %mul3A_374 = arith.mulf %mul3A_373, %get3A_43 : vector<16xf32>
        %exp3A_375 = math.exp %mul3A_374 : vector<16xf32>
        %swap3A_376 = arith.constant 0 : i32
        %swap3A_377 = arith.index_cast %swap3A_376 : i32 to index
        %swap3A_378 = arith.index_cast %mul3A_310 : i32 to index
        %swap3A_379 = tpu.vector_load %arg16[%swap3A_377, %swap3A_378] {strides = array<i32>} : memref<10x1024xf32, #tpu.memory_space<vmem>>, vector<16xf32>,
        tpu.vector_store %arg16[%swap3A_377, %swap3A_378], %exp3A_375 {strides = array<i32>} : memref<10x1024xf32, #tpu.memory_space<vmem>>, vector<16xf32>,
        %sub3A_380 = arith.subf %mul3A_371, %get3A_7 : vector<16xf32>
        %mul3A_381 = arith.mulf %sub3A_380, %sub3A_380 : vector<16xf32>
        %mul3A_382 = arith.mulf %mul3A_381, %get3A_47 : vector<16xf32>
        %exp3A_383 = math.exp %mul3A_382 : vector<16xf32>
        %swap3A_384 = arith.constant 1 : i32
        %swap3A_385 = arith.index_cast %swap3A_384 : i32 to index
        %swap3A_386 = arith.index_cast %mul3A_310 : i32 to index
        %swap3A_387 = tpu.vector_load %arg16[%swap3A_385, %swap3A_386] {strides = array<i32>} : memref<10x1024xf32, #tpu.memory_space<vmem>>, vector<16xf32>,
        tpu.vector_store %arg16[%swap3A_385, %swap3A_386], %exp3A_383 {strides = array<i32>} : memref<10x1024xf32, #tpu.memory_space<vmem>>, vector<16xf32>,
        %sub3A_388 = arith.subf %mul3A_371, %get3A_11 : vector<16xf32>
        %mul3A_389 = arith.mulf %sub3A_388, %sub3A_388 : vector<16xf32>
        %mul3A_390 = arith.mulf %mul3A_389, %get3A_51 : vector<16xf32>
        %exp3A_391 = math.exp %mul3A_390 : vector<16xf32>
        %swap3A_392 = arith.constant 2 : i32
        %swap3A_393 = arith.index_cast %swap3A_392 : i32 to index
        %swap3A_394 = arith.index_cast %mul3A_310 : i32 to index
        %swap3A_395 = tpu.vector_load %arg16[%swap3A_393, %swap3A_394] {strides = array<i32>} : memref<10x1024xf32, #tpu.memory_space<vmem>>, vector<16xf32>,
        tpu.vector_store %arg16[%swap3A_393, %swap3A_394], %exp3A_391 {strides = array<i32>} : memref<10x1024xf32, #tpu.memory_space<vmem>>, vector<16xf32>,
        %sub3A_396 = arith.subf %mul3A_371, %get3A_15 : vector<16xf32>
        %mul3A_397 = arith.mulf %sub3A_396, %sub3A_396 : vector<16xf32>
        %mul3A_398 = arith.mulf %mul3A_397, %get3A_55 : vector<16xf32>
        %exp3A_399 = math.exp %mul3A_398 : vector<16xf32>
        %swap3A_400 = arith.constant 3 : i32
        %swap3A_401 = arith.index_cast %swap3A_400 : i32 to index
        %swap3A_402 = arith.index_cast %mul3A_310 : i32 to index
        %swap3A_403 = tpu.vector_load %arg16[%swap3A_401, %swap3A_402] {strides = array<i32>} : memref<10x1024xf32, #tpu.memory_space<vmem>>, vector<16xf32>,
        tpu.vector_store %arg16[%swap3A_401, %swap3A_402], %exp3A_399 {strides = array<i32>} : memref<10x1024xf32, #tpu.memory_space<vmem>>, vector<16xf32>,
        %sub3A_404 = arith.subf %mul3A_371, %get3A_19 : vector<16xf32>
        %mul3A_405 = arith.mulf %sub3A_404, %sub3A_404 : vector<16xf32>
        %mul3A_406 = arith.mulf %mul3A_405, %get3A_59 : vector<16xf32>
        %exp3A_407 = math.exp %mul3A_406 : vector<16xf32>
        %swap3A_408 = arith.constant 4 : i32
        %swap3A_409 = arith.index_cast %swap3A_408 : i32 to index
        %swap3A_410 = arith.index_cast %mul3A_310 : i32 to index
        %swap3A_411 = tpu.vector_load %arg16[%swap3A_409, %swap3A_410] {strides = array<i32>} : memref<10x1024xf32, #tpu.memory_space<vmem>>, vector<16xf32>,
        tpu.vector_store %arg16[%swap3A_409, %swap3A_410], %exp3A_407 {strides = array<i32>} : memref<10x1024xf32, #tpu.memory_space<vmem>>, vector<16xf32>,
        %sub3A_412 = arith.subf %mul3A_371, %get3A_23 : vector<16xf32>
        %mul3A_413 = arith.mulf %sub3A_412, %sub3A_412 : vector<16xf32>
        %mul3A_414 = arith.mulf %mul3A_413, %get3A_63 : vector<16xf32>
        %exp3A_415 = math.exp %mul3A_414 : vector<16xf32>
        %swap3A_416 = arith.constant 5 : i32
        %swap3A_417 = arith.index_cast %swap3A_416 : i32 to index
        %swap3A_418 = arith.index_cast %mul3A_310 : i32 to index
        %swap3A_419 = tpu.vector_load %arg16[%swap3A_417, %swap3A_418] {strides = array<i32>} : memref<10x1024xf32, #tpu.memory_space<vmem>>, vector<16xf32>,
        tpu.vector_store %arg16[%swap3A_417, %swap3A_418], %exp3A_415 {strides = array<i32>} : memref<10x1024xf32, #tpu.memory_space<vmem>>, vector<16xf32>,
        %sub3A_420 = arith.subf %mul3A_371, %get3A_27 : vector<16xf32>
        %mul3A_421 = arith.mulf %sub3A_420, %sub3A_420 : vector<16xf32>
        %mul3A_422 = arith.mulf %mul3A_421, %get3A_67 : vector<16xf32>
        %exp3A_423 = math.exp %mul3A_422 : vector<16xf32>
        %swap3A_424 = arith.constant 6 : i32
        %swap3A_425 = arith.index_cast %swap3A_424 : i32 to index
        %swap3A_426 = arith.index_cast %mul3A_310 : i32 to index
        %swap3A_427 = tpu.vector_load %arg16[%swap3A_425, %swap3A_426] {strides = array<i32>} : memref<10x1024xf32, #tpu.memory_space<vmem>>, vector<16xf32>,
        tpu.vector_store %arg16[%swap3A_425, %swap3A_426], %exp3A_423 {strides = array<i32>} : memref<10x1024xf32, #tpu.memory_space<vmem>>, vector<16xf32>,
        %sub3A_428 = arith.subf %mul3A_371, %get3A_31 : vector<16xf32>
        %mul3A_429 = arith.mulf %sub3A_428, %sub3A_428 : vector<16xf32>
        %mul3A_430 = arith.mulf %mul3A_429, %get3A_71 : vector<16xf32>
        %exp3A_431 = math.exp %mul3A_430 : vector<16xf32>
        %swap3A_432 = arith.constant 7 : i32
        %swap3A_433 = arith.index_cast %swap3A_432 : i32 to index
        %swap3A_434 = arith.index_cast %mul3A_310 : i32 to index
        %swap3A_435 = tpu.vector_load %arg16[%swap3A_433, %swap3A_434] {strides = array<i32>} : memref<10x1024xf32, #tpu.memory_space<vmem>>, vector<16xf32>,
        tpu.vector_store %arg16[%swap3A_433, %swap3A_434], %exp3A_431 {strides = array<i32>} : memref<10x1024xf32, #tpu.memory_space<vmem>>, vector<16xf32>,
        %sub3A_436 = arith.subf %mul3A_371, %get3A_35 : vector<16xf32>
        %mul3A_437 = arith.mulf %sub3A_436, %sub3A_436 : vector<16xf32>
        %mul3A_438 = arith.mulf %mul3A_437, %get3A_75 : vector<16xf32>
        %exp3A_439 = math.exp %mul3A_438 : vector<16xf32>
        %swap3A_440 = arith.constant 8 : i32
        %swap3A_441 = arith.index_cast %swap3A_440 : i32 to index
        %swap3A_442 = arith.index_cast %mul3A_310 : i32 to index
        %swap3A_443 = tpu.vector_load %arg16[%swap3A_441, %swap3A_442] {strides = array<i32>} : memref<10x1024xf32, #tpu.memory_space<vmem>>, vector<16xf32>,
        tpu.vector_store %arg16[%swap3A_441, %swap3A_442], %exp3A_439 {strides = array<i32>} : memref<10x1024xf32, #tpu.memory_space<vmem>>, vector<16xf32>,
        %sub3A_444 = arith.subf %mul3A_371, %get3A_39 : vector<16xf32>
        %mul3A_445 = arith.mulf %sub3A_444, %sub3A_444 : vector<16xf32>
        %mul3A_446 = arith.mulf %mul3A_445, %get3A_79 : vector<16xf32>
        %exp3A_447 = math.exp %mul3A_446 : vector<16xf32>
        %swap3A_448 = arith.constant 9 : i32
        %swap3A_449 = arith.index_cast %swap3A_448 : i32 to index
        %swap3A_450 = arith.index_cast %mul3A_310 : i32 to index
        %swap3A_451 = tpu.vector_load %arg16[%swap3A_449, %swap3A_450] {strides = array<i32>} : memref<10x1024xf32, #tpu.memory_space<vmem>>, vector<16xf32>,
        tpu.vector_store %arg16[%swap3A_449, %swap3A_450], %exp3A_447 {strides = array<i32>} : memref<10x1024xf32, #tpu.memory_space<vmem>>, vector<16xf32>,
      }
      %scan3A_151 = arith.constant 64 : i32
      %mul3A_152 = arith.constant 32 : i32
      %mul3A_153 = arith.muli %mul3A_127, %mul3A_152 : i32
      %add3A_154 = arith.addi %mul3A_153, %add3A : i32
      %mul3A_155 = arith.constant 1024 : i32
      %mul3A_156 = arith.muli %add3A_154, %mul3A_155 : i32
      %dma_start3A_157 = arith.constant 0 : i32
      %dma_start3A_158 = tpu.memref_slice %arg5[%dma_start3A_157, %mul3A_156] : memref<10x3200000xf32, #tpu.memory_space<hbm>> -> memref<10x1024xf32, #tpu.memory_space<hbm>>
      %dma_start3A_159 = arith.constant 0 : i32
      %dma_start3A_160 = tpu.memref_slice %arg5[%dma_start3A_159, %mul3A_156] : memref<10x3200000xf32, #tpu.memory_space<hbm>> -> memref<10x1024xf32, #tpu.memory_space<hbm>>
      tpu.enqueue_dma source(%arg16 : memref<10x1024xf32, #tpu.memory_space<vmem>>) target(%dma_start3A_160 : memref<10x1024xf32, #tpu.memory_space<hbm>>) target_semaphore(%arg25 : memref<!tpu.dma_semaphore, #tpu.memory_space<semaphore_mem>>)
      %mul3A_161 = arith.constant 2 : i32
      %mul3A_162 = arith.muli %mul3A_161, %scan3A_125 : i32
      %add3A_163 = arith.constant 1 : i32
      %add3A_164 = arith.addi %mul3A_162, %add3A_163 : i32
      %lt3A_165 = arith.cmpi slt, %add3A_164, %add3A_83 : i32
      %convert_element_type3A_166 = arith.extui %lt3A_165 : i1 to i32
      %cond3A_167 = arith.constant 0 : i32
      %cond3A_168 = arith.cmpi ne, %convert_element_type3A_166, %cond3A_167 : i32
      scf.if %cond3A_168 {
        %mul3A_169 = arith.constant 2 : i32
        %mul3A_170 = arith.muli %mul3A_169, %scan3A_125 : i32
        %add3A_171 = arith.constant 1 : i32
        %add3A_172 = arith.addi %mul3A_170, %add3A_171 : i32
        %dma_wait3A_173 = arith.constant 0 : i32
        %dma_wait3A_174 = tpu.memref_slice %arg3[%dma_wait3A_173] : memref<300000xf32, #tpu.memory_space<hbm>> -> memref<300000xf32, #tpu.memory_space<hbm>>
        tpu.wait_indirect_dma semaphore(%arg22 : memref<!tpu.dma_semaphore, #tpu.memory_space<semaphore_mem>>) src(%dma_wait3A_174 : memref<300000xf32, #tpu.memory_space<hbm>>) dst(%arg13 : memref<3072xf32, #tpu.memory_space<vmem>>)
        %dma_wait3A_175 = arith.constant 0 : i32
        %dma_wait3A_176 = tpu.memref_slice %arg3[%dma_wait3A_175] : memref<300000xf32, #tpu.memory_space<hbm>> -> memref<300000xf32, #tpu.memory_space<hbm>>
        tpu.wait_indirect_dma semaphore(%arg24 : memref<!tpu.dma_semaphore, #tpu.memory_space<semaphore_mem>>) src(%dma_wait3A_176 : memref<300000xf32, #tpu.memory_space<hbm>>) dst(%arg15 : memref<3072xf32, #tpu.memory_space<vmem>>)
        %add3A_177 = arith.constant 1 : i32
        %add3A_178 = arith.addi %add3A_172, %add3A_177 : i32
        %lt3A_179 = arith.cmpi slt, %add3A_178, %add3A_83 : i32
        %convert_element_type3A_180 = arith.extui %lt3A_179 : i1 to i32
        %cond3A_181 = arith.constant 0 : i32
        %cond3A_182 = arith.cmpi ne, %convert_element_type3A_180, %cond3A_181 : i32
        scf.if %cond3A_182 {
          %add3A_209 = arith.constant 1 : i32
          %add3A_210 = arith.addi %add3A_172, %add3A_209 : i32
          %mul3A_211 = arith.constant 32 : i32
          %mul3A_212 = arith.muli %add3A_210, %mul3A_211 : i32
          %add3A_213 = arith.addi %mul3A_212, %add3A : i32
          %mul3A_214 = arith.constant 1024 : i32
          %mul3A_215 = arith.muli %add3A_213, %mul3A_214 : i32
          %dma_wait3A_216 = arith.constant 0 : i32
          %dma_wait3A_217 = tpu.memref_slice %arg2[%dma_wait3A_216, %mul3A_215] : memref<2x3200000xi32, #tpu.memory_space<hbm>> -> memref<2x1024xi32, #tpu.memory_space<hbm>>
          %dma_wait3A_218 = arith.constant 0 : i32
          %dma_wait3A_219 = tpu.memref_slice %arg2[%dma_wait3A_218, %mul3A_215] : memref<2x3200000xi32, #tpu.memory_space<hbm>> -> memref<2x1024xi32, #tpu.memory_space<hbm>>
          tpu.wait_dma2 semaphore(%arg19 : memref<!tpu.dma_semaphore, #tpu.memory_space<semaphore_mem>>) src(%dma_wait3A_219 : memref<2x1024xi32, #tpu.memory_space<hbm>>) dst(%arg6 : memref<2x1024xi32, #tpu.memory_space<vmem>>)
          %scan3A_220 = arith.constant 0 : i32
          %scan3A_221 = arith.constant 0 : i32
          %scan3A_222 = arith.constant 64 : i32
          %scan3A_223 = arith.addi %scan3A_221, %scan3A_222 : i32
          %scan3A_224 = arith.constant 2 : i32
          scf.for %scan3A_230 = %scan3A_221 to %scan3A_223 step %scan3A_224  : i32 {
            %mul3A_231 = arith.constant 16 : i32
            %mul3A_232 = arith.muli %scan3A_230, %mul3A_231 : i32
            %get3A_233 = arith.constant 0 : i32
            %get3A_234 = arith.index_cast %get3A_233 : i32 to index
            %get3A_235 = arith.index_cast %mul3A_232 : i32 to index
            %get3A_236 = tpu.vector_load %arg6[%get3A_234, %get3A_235] {strides = array<i32>} : memref<2x1024xi32, #tpu.memory_space<vmem>>, vector<16xi32>,
            %mul3A_237 = arith.constant 3 : i32
            %mul3A_238 = vector.broadcast %mul3A_237 : i32 to vector<16xi32>
            %mul3A_239 = arith.muli %get3A_236, %mul3A_238 : vector<16xi32>
            %get3A_240 = arith.constant 1 : i32
            %get3A_241 = arith.index_cast %get3A_240 : i32 to index
            %get3A_242 = arith.index_cast %mul3A_232 : i32 to index
            %get3A_243 = tpu.vector_load %arg6[%get3A_241, %get3A_242] {strides = array<i32>} : memref<2x1024xi32, #tpu.memory_space<vmem>>, vector<16xi32>,
            %mul3A_244 = arith.constant 3 : i32
            %mul3A_245 = vector.broadcast %mul3A_244 : i32 to vector<16xi32>
            %mul3A_246 = arith.muli %get3A_243, %mul3A_245 : vector<16xi32>
            %swap3A = arith.index_cast %mul3A_232 : i32 to index
            %swap3A_247 = tpu.vector_load %arg8[%swap3A] {strides = array<i32>} : memref<3072xi32, #tpu.memory_space<vmem>>, vector<16xi32>,
            tpu.vector_store %arg8[%swap3A], %mul3A_239 {strides = array<i32>} : memref<3072xi32, #tpu.memory_space<vmem>>, vector<16xi32>,
            %add3A_248 = arith.constant 1 : i32
            %add3A_249 = vector.broadcast %add3A_248 : i32 to vector<16xi32>
            %add3A_250 = arith.addi %mul3A_239, %add3A_249 : vector<16xi32>
            %mul3A_251 = arith.constant 16 : i32
            %mul3A_252 = arith.muli %scan3A_230, %mul3A_251 : i32
            %add3A_253 = arith.constant 1024 : i32
            %add3A_254 = arith.addi %add3A_253, %mul3A_252 : i32
            %swap3A_255 = arith.index_cast %add3A_254 : i32 to index
            %swap3A_256 = tpu.vector_load %arg8[%swap3A_255] {strides = array<i32>} : memref<3072xi32, #tpu.memory_space<vmem>>, vector<16xi32>,
            tpu.vector_store %arg8[%swap3A_255], %add3A_250 {strides = array<i32>} : memref<3072xi32, #tpu.memory_space<vmem>>, vector<16xi32>,
            %add3A_257 = arith.constant 2 : i32
            %add3A_258 = vector.broadcast %add3A_257 : i32 to vector<16xi32>
            %add3A_259 = arith.addi %mul3A_239, %add3A_258 : vector<16xi32>
            %mul3A_260 = arith.constant 16 : i32
            %mul3A_261 = arith.muli %scan3A_230, %mul3A_260 : i32
            %add3A_262 = arith.constant 2048 : i32
            %add3A_263 = arith.addi %add3A_262, %mul3A_261 : i32
            %swap3A_264 = arith.index_cast %add3A_263 : i32 to index
            %swap3A_265 = tpu.vector_load %arg8[%swap3A_264] {strides = array<i32>} : memref<3072xi32, #tpu.memory_space<vmem>>, vector<16xi32>,
            tpu.vector_store %arg8[%swap3A_264], %add3A_259 {strides = array<i32>} : memref<3072xi32, #tpu.memory_space<vmem>>, vector<16xi32>,
            %swap3A_266 = arith.index_cast %mul3A_232 : i32 to index
            %swap3A_267 = tpu.vector_load %arg10[%swap3A_266] {strides = array<i32>} : memref<3072xi32, #tpu.memory_space<vmem>>, vector<16xi32>,
            tpu.vector_store %arg10[%swap3A_266], %mul3A_246 {strides = array<i32>} : memref<3072xi32, #tpu.memory_space<vmem>>, vector<16xi32>,
            %add3A_268 = arith.constant 1 : i32
            %add3A_269 = vector.broadcast %add3A_268 : i32 to vector<16xi32>
            %add3A_270 = arith.addi %mul3A_246, %add3A_269 : vector<16xi32>
            %mul3A_271 = arith.constant 16 : i32
            %mul3A_272 = arith.muli %scan3A_230, %mul3A_271 : i32
            %add3A_273 = arith.constant 1024 : i32
            %add3A_274 = arith.addi %add3A_273, %mul3A_272 : i32
            %swap3A_275 = arith.index_cast %add3A_274 : i32 to index
            %swap3A_276 = tpu.vector_load %arg10[%swap3A_275] {strides = array<i32>} : memref<3072xi32, #tpu.memory_space<vmem>>, vector<16xi32>,
            tpu.vector_store %arg10[%swap3A_275], %add3A_270 {strides = array<i32>} : memref<3072xi32, #tpu.memory_space<vmem>>, vector<16xi32>,
            %add3A_277 = arith.constant 2 : i32
            %add3A_278 = vector.broadcast %add3A_277 : i32 to vector<16xi32>
            %add3A_279 = arith.addi %mul3A_246, %add3A_278 : vector<16xi32>
            %mul3A_280 = arith.constant 16 : i32
            %mul3A_281 = arith.muli %scan3A_230, %mul3A_280 : i32
            %add3A_282 = arith.constant 2048 : i32
            %add3A_283 = arith.addi %add3A_282, %mul3A_281 : i32
            %swap3A_284 = arith.index_cast %add3A_283 : i32 to index
            %swap3A_285 = tpu.vector_load %arg10[%swap3A_284] {strides = array<i32>} : memref<3072xi32, #tpu.memory_space<vmem>>, vector<16xi32>,
            tpu.vector_store %arg10[%swap3A_284], %add3A_279 {strides = array<i32>} : memref<3072xi32, #tpu.memory_space<vmem>>, vector<16xi32>,
            %scan3A_286 = arith.constant 1 : i32
            %scan3A_287 = arith.addi %scan3A_230, %scan3A_286 : i32
            %mul3A_288 = arith.constant 16 : i32
            %mul3A_289 = arith.muli %scan3A_287, %mul3A_288 : i32
            %get3A_290 = arith.constant 0 : i32
            %get3A_291 = arith.index_cast %get3A_290 : i32 to index
            %get3A_292 = arith.index_cast %mul3A_289 : i32 to index
            %get3A_293 = tpu.vector_load %arg6[%get3A_291, %get3A_292] {strides = array<i32>} : memref<2x1024xi32, #tpu.memory_space<vmem>>, vector<16xi32>,
            %mul3A_294 = arith.constant 3 : i32
            %mul3A_295 = vector.broadcast %mul3A_294 : i32 to vector<16xi32>
            %mul3A_296 = arith.muli %get3A_293, %mul3A_295 : vector<16xi32>
            %get3A_297 = arith.constant 1 : i32
            %get3A_298 = arith.index_cast %get3A_297 : i32 to index
            %get3A_299 = arith.index_cast %mul3A_289 : i32 to index
            %get3A_300 = tpu.vector_load %arg6[%get3A_298, %get3A_299] {strides = array<i32>} : memref<2x1024xi32, #tpu.memory_space<vmem>>, vector<16xi32>,
            %mul3A_301 = arith.constant 3 : i32
            %mul3A_302 = vector.broadcast %mul3A_301 : i32 to vector<16xi32>
            %mul3A_303 = arith.muli %get3A_300, %mul3A_302 : vector<16xi32>
            %swap3A_304 = arith.index_cast %mul3A_289 : i32 to index
            %swap3A_305 = tpu.vector_load %arg8[%swap3A_304] {strides = array<i32>} : memref<3072xi32, #tpu.memory_space<vmem>>, vector<16xi32>,
            tpu.vector_store %arg8[%swap3A_304], %mul3A_296 {strides = array<i32>} : memref<3072xi32, #tpu.memory_space<vmem>>, vector<16xi32>,
            %add3A_306 = arith.constant 1 : i32
            %add3A_307 = vector.broadcast %add3A_306 : i32 to vector<16xi32>
            %add3A_308 = arith.addi %mul3A_296, %add3A_307 : vector<16xi32>
            %mul3A_309 = arith.constant 16 : i32
            %mul3A_310 = arith.muli %scan3A_287, %mul3A_309 : i32
            %add3A_311 = arith.constant 1024 : i32
            %add3A_312 = arith.addi %add3A_311, %mul3A_310 : i32
            %swap3A_313 = arith.index_cast %add3A_312 : i32 to index
            %swap3A_314 = tpu.vector_load %arg8[%swap3A_313] {strides = array<i32>} : memref<3072xi32, #tpu.memory_space<vmem>>, vector<16xi32>,
            tpu.vector_store %arg8[%swap3A_313], %add3A_308 {strides = array<i32>} : memref<3072xi32, #tpu.memory_space<vmem>>, vector<16xi32>,
            %add3A_315 = arith.constant 2 : i32
            %add3A_316 = vector.broadcast %add3A_315 : i32 to vector<16xi32>
            %add3A_317 = arith.addi %mul3A_296, %add3A_316 : vector<16xi32>
            %mul3A_318 = arith.constant 16 : i32
            %mul3A_319 = arith.muli %scan3A_287, %mul3A_318 : i32
            %add3A_320 = arith.constant 2048 : i32
            %add3A_321 = arith.addi %add3A_320, %mul3A_319 : i32
            %swap3A_322 = arith.index_cast %add3A_321 : i32 to index
            %swap3A_323 = tpu.vector_load %arg8[%swap3A_322] {strides = array<i32>} : memref<3072xi32, #tpu.memory_space<vmem>>, vector<16xi32>,
            tpu.vector_store %arg8[%swap3A_322], %add3A_317 {strides = array<i32>} : memref<3072xi32, #tpu.memory_space<vmem>>, vector<16xi32>,
            %swap3A_324 = arith.index_cast %mul3A_289 : i32 to index
            %swap3A_325 = tpu.vector_load %arg10[%swap3A_324] {strides = array<i32>} : memref<3072xi32, #tpu.memory_space<vmem>>, vector<16xi32>,
            tpu.vector_store %arg10[%swap3A_324], %mul3A_303 {strides = array<i32>} : memref<3072xi32, #tpu.memory_space<vmem>>, vector<16xi32>,
            %add3A_326 = arith.constant 1 : i32
            %add3A_327 = vector.broadcast %add3A_326 : i32 to vector<16xi32>
            %add3A_328 = arith.addi %mul3A_303, %add3A_327 : vector<16xi32>
            %mul3A_329 = arith.constant 16 : i32
            %mul3A_330 = arith.muli %scan3A_287, %mul3A_329 : i32
            %add3A_331 = arith.constant 1024 : i32
            %add3A_332 = arith.addi %add3A_331, %mul3A_330 : i32
            %swap3A_333 = arith.index_cast %add3A_332 : i32 to index
            %swap3A_334 = tpu.vector_load %arg10[%swap3A_333] {strides = array<i32>} : memref<3072xi32, #tpu.memory_space<vmem>>, vector<16xi32>,
            tpu.vector_store %arg10[%swap3A_333], %add3A_328 {strides = array<i32>} : memref<3072xi32, #tpu.memory_space<vmem>>, vector<16xi32>,
            %add3A_335 = arith.constant 2 : i32
            %add3A_336 = vector.broadcast %add3A_335 : i32 to vector<16xi32>
            %add3A_337 = arith.addi %mul3A_303, %add3A_336 : vector<16xi32>
            %mul3A_338 = arith.constant 16 : i32
            %mul3A_339 = arith.muli %scan3A_287, %mul3A_338 : i32
            %add3A_340 = arith.constant 2048 : i32
            %add3A_341 = arith.addi %add3A_340, %mul3A_339 : i32
            %swap3A_342 = arith.index_cast %add3A_341 : i32 to index
            %swap3A_343 = tpu.vector_load %arg10[%swap3A_342] {strides = array<i32>} : memref<3072xi32, #tpu.memory_space<vmem>>, vector<16xi32>,
            tpu.vector_store %arg10[%swap3A_342], %add3A_337 {strides = array<i32>} : memref<3072xi32, #tpu.memory_space<vmem>>, vector<16xi32>,
          }
          %scan3A_225 = arith.constant 64 : i32
          %dma_start3A_226 = arith.constant 0 : i32
          %dma_start3A_227 = tpu.memref_slice %arg3[%dma_start3A_226] : memref<300000xf32, #tpu.memory_space<hbm>> -> memref<300000xf32, #tpu.memory_space<hbm>>
          tpu.enqueue_indirect_dma source(%dma_start3A_227 : memref<300000xf32, #tpu.memory_space<hbm>>) target(%arg12 : memref<3072xf32, #tpu.memory_space<vmem>>) offsets(%arg8 : memref<3072xi32, #tpu.memory_space<vmem>>) semaphore(%arg21 : memref<!tpu.dma_semaphore, #tpu.memory_space<semaphore_mem>>)
          %dma_start3A_228 = arith.constant 0 : i32
          %dma_start3A_229 = tpu.memref_slice %arg3[%dma_start3A_228] : memref<300000xf32, #tpu.memory_space<hbm>> -> memref<300000xf32, #tpu.memory_space<hbm>>
          tpu.enqueue_indirect_dma source(%dma_start3A_229 : memref<300000xf32, #tpu.memory_space<hbm>>) target(%arg14 : memref<3072xf32, #tpu.memory_space<vmem>>) offsets(%arg10 : memref<3072xi32, #tpu.memory_space<vmem>>) semaphore(%arg23 : memref<!tpu.dma_semaphore, #tpu.memory_space<semaphore_mem>>)
        } else {
        }
        %add3A_183 = arith.constant 2 : i32
        %add3A_184 = arith.addi %add3A_172, %add3A_183 : i32
        %lt3A_185 = arith.cmpi slt, %add3A_184, %add3A_83 : i32
        %convert_element_type3A_186 = arith.extui %lt3A_185 : i1 to i32
        %cond3A_187 = arith.constant 0 : i32
        %cond3A_188 = arith.cmpi ne, %convert_element_type3A_186, %cond3A_187 : i32
        scf.if %cond3A_188 {
          %add3A_209 = arith.constant 2 : i32
          %add3A_210 = arith.addi %add3A_172, %add3A_209 : i32
          %mul3A_211 = arith.constant 32 : i32
          %mul3A_212 = arith.muli %add3A_210, %mul3A_211 : i32
          %add3A_213 = arith.addi %mul3A_212, %add3A : i32
          %mul3A_214 = arith.constant 1024 : i32
          %mul3A_215 = arith.muli %add3A_213, %mul3A_214 : i32
          %dma_start3A_216 = arith.constant 0 : i32
          %dma_start3A_217 = tpu.memref_slice %arg2[%dma_start3A_216, %mul3A_215] : memref<2x3200000xi32, #tpu.memory_space<hbm>> -> memref<2x1024xi32, #tpu.memory_space<hbm>>
          %dma_start3A_218 = arith.constant 0 : i32
          %dma_start3A_219 = tpu.memref_slice %arg2[%dma_start3A_218, %mul3A_215] : memref<2x3200000xi32, #tpu.memory_space<hbm>> -> memref<2x1024xi32, #tpu.memory_space<hbm>>
          tpu.enqueue_dma source(%dma_start3A_219 : memref<2x1024xi32, #tpu.memory_space<hbm>>) target(%arg7 : memref<2x1024xi32, #tpu.memory_space<vmem>>) target_semaphore(%arg20 : memref<!tpu.dma_semaphore, #tpu.memory_space<semaphore_mem>>)
        } else {
        }
        %ge3A_189 = arith.constant 2 : i32
        %ge3A_190 = arith.cmpi sge, %add3A_172, %ge3A_189 : i32
        %convert_element_type3A_191 = arith.extui %ge3A_190 : i1 to i32
        %cond3A_192 = arith.constant 0 : i32
        %cond3A_193 = arith.cmpi ne, %convert_element_type3A_191, %cond3A_192 : i32
        scf.if %cond3A_193 {
          %sub3A = arith.constant 2 : i32
          %sub3A_209 = arith.subi %add3A_172, %sub3A : i32
          %mul3A_210 = arith.constant 32 : i32
          %mul3A_211 = arith.muli %sub3A_209, %mul3A_210 : i32
          %add3A_212 = arith.addi %mul3A_211, %add3A : i32
          %mul3A_213 = arith.constant 1024 : i32
          %mul3A_214 = arith.muli %add3A_212, %mul3A_213 : i32
          %dma_wait3A_215 = arith.constant 0 : i32
          %dma_wait3A_216 = tpu.memref_slice %arg5[%dma_wait3A_215, %mul3A_214] : memref<10x3200000xf32, #tpu.memory_space<hbm>> -> memref<10x1024xf32, #tpu.memory_space<hbm>>
          %dma_wait3A_217 = arith.constant 0 : i32
          %dma_wait3A_218 = tpu.memref_slice %arg5[%dma_wait3A_217, %mul3A_214] : memref<10x3200000xf32, #tpu.memory_space<hbm>> -> memref<10x1024xf32, #tpu.memory_space<hbm>>
          tpu.wait_dma2 semaphore(%arg26 : memref<!tpu.dma_semaphore, #tpu.memory_space<semaphore_mem>>) src(%arg17 : memref<10x1024xf32, #tpu.memory_space<vmem>>) dst(%dma_wait3A_218 : memref<10x1024xf32, #tpu.memory_space<hbm>>)
        } else {
        }
        %scan3A_194 = arith.constant 0 : i32
        %scan3A_195 = arith.constant 0 : i32
        %scan3A_196 = arith.constant 64 : i32
        %scan3A_197 = arith.addi %scan3A_195, %scan3A_196 : i32
        %scan3A_198 = arith.constant 2 : i32
        scf.for %scan3A_209 = %scan3A_195 to %scan3A_197 step %scan3A_198  : i32 {
          %mul3A_210 = arith.constant 16 : i32
          %mul3A_211 = arith.muli %scan3A_209, %mul3A_210 : i32
          %mul3A_212 = arith.constant 16 : i32
          %mul3A_213 = arith.muli %scan3A_209, %mul3A_212 : i32
          %add3A_214 = arith.constant 1024 : i32
          %add3A_215 = arith.addi %add3A_214, %mul3A_213 : i32
          %mul3A_216 = arith.constant 16 : i32
          %mul3A_217 = arith.muli %scan3A_209, %mul3A_216 : i32
          %add3A_218 = arith.constant 2048 : i32
          %add3A_219 = arith.addi %add3A_218, %mul3A_217 : i32
          %get3A_220 = arith.index_cast %mul3A_211 : i32 to index
          %get3A_221 = tpu.vector_load %arg13[%get3A_220] {strides = array<i32>} : memref<3072xf32, #tpu.memory_space<vmem>>, vector<16xf32>,
          %get3A_222 = arith.index_cast %mul3A_211 : i32 to index
          %get3A_223 = tpu.vector_load %arg15[%get3A_222] {strides = array<i32>} : memref<3072xf32, #tpu.memory_space<vmem>>, vector<16xf32>,
          %sub3A = arith.subf %get3A_221, %get3A_223 : vector<16xf32>
          %get3A_224 = arith.index_cast %add3A_215 : i32 to index
          %get3A_225 = tpu.vector_load %arg13[%get3A_224] {strides = array<i32>} : memref<3072xf32, #tpu.memory_space<vmem>>, vector<16xf32>,
          %get3A_226 = arith.index_cast %add3A_215 : i32 to index
          %get3A_227 = tpu.vector_load %arg15[%get3A_226] {strides = array<i32>} : memref<3072xf32, #tpu.memory_space<vmem>>, vector<16xf32>,
          %sub3A_228 = arith.subf %get3A_225, %get3A_227 : vector<16xf32>
          %get3A_229 = arith.index_cast %add3A_219 : i32 to index
          %get3A_230 = tpu.vector_load %arg13[%get3A_229] {strides = array<i32>} : memref<3072xf32, #tpu.memory_space<vmem>>, vector<16xf32>,
          %get3A_231 = arith.index_cast %add3A_219 : i32 to index
          %get3A_232 = tpu.vector_load %arg15[%get3A_231] {strides = array<i32>} : memref<3072xf32, #tpu.memory_space<vmem>>, vector<16xf32>,
          %sub3A_233 = arith.subf %get3A_230, %get3A_232 : vector<16xf32>
          %mul3A_234 = arith.mulf %sub3A, %sub3A : vector<16xf32>
          %mul3A_235 = arith.mulf %sub3A_228, %sub3A_228 : vector<16xf32>
          %add3A_236 = arith.addf %mul3A_234, %mul3A_235 : vector<16xf32>
          %mul3A_237 = arith.mulf %sub3A_233, %sub3A_233 : vector<16xf32>
          %add3A_238 = arith.addf %add3A_236, %mul3A_237 : vector<16xf32>
          %max3A = arith.constant 1.000000e-30 : f32
          %max3A_239 = vector.broadcast %max3A : f32 to vector<16xf32>
          %max3A_240 = arith.maximumf %add3A_238, %max3A_239 : vector<16xf32>
          %bitcast_convert_type3A = tpu.bitcast %max3A_240 : vector<16xf32> -> vector<16xi32>
          %shift_right_logical3A = arith.constant 1 : i32
          %shift_right_logical3A_241 = vector.broadcast %shift_right_logical3A : i32 to vector<16xi32>
          %shift_right_logical3A_242 = arith.shrui %bitcast_convert_type3A, %shift_right_logical3A_241 : vector<16xi32>
          %sub3A_243 = arith.constant 1597463007 : i32
          %sub3A_244 = vector.broadcast %sub3A_243 : i32 to vector<16xi32>
          %sub3A_245 = arith.subi %sub3A_244, %shift_right_logical3A_242 : vector<16xi32>
          %bitcast_convert_type3A_246 = tpu.bitcast %sub3A_245 : vector<16xi32> -> vector<16xf32>
          %mul3A_247 = arith.constant 5.000000e-01 : f32
          %mul3A_248 = vector.broadcast %mul3A_247 : f32 to vector<16xf32>
          %mul3A_249 = arith.mulf %mul3A_248, %max3A_240 : vector<16xf32>
          %mul3A_250 = arith.mulf %mul3A_249, %bitcast_convert_type3A_246 : vector<16xf32>
          %mul3A_251 = arith.mulf %mul3A_250, %bitcast_convert_type3A_246 : vector<16xf32>
          %sub3A_252 = arith.constant 1.500000e+00 : f32
          %sub3A_253 = vector.broadcast %sub3A_252 : f32 to vector<16xf32>
          %sub3A_254 = arith.subf %sub3A_253, %mul3A_251 : vector<16xf32>
          %mul3A_255 = arith.mulf %bitcast_convert_type3A_246, %sub3A_254 : vector<16xf32>
          %mul3A_256 = arith.mulf %mul3A_249, %mul3A_255 : vector<16xf32>
          %mul3A_257 = arith.mulf %mul3A_256, %mul3A_255 : vector<16xf32>
          %sub3A_258 = arith.constant 1.500000e+00 : f32
          %sub3A_259 = vector.broadcast %sub3A_258 : f32 to vector<16xf32>
          %sub3A_260 = arith.subf %sub3A_259, %mul3A_257 : vector<16xf32>
          %mul3A_261 = arith.mulf %mul3A_255, %sub3A_260 : vector<16xf32>
          %mul3A_262 = arith.mulf %mul3A_249, %mul3A_261 : vector<16xf32>
          %mul3A_263 = arith.mulf %mul3A_262, %mul3A_261 : vector<16xf32>
          %sub3A_264 = arith.constant 1.500000e+00 : f32
          %sub3A_265 = vector.broadcast %sub3A_264 : f32 to vector<16xf32>
          %sub3A_266 = arith.subf %sub3A_265, %mul3A_263 : vector<16xf32>
          %mul3A_267 = arith.mulf %mul3A_261, %sub3A_266 : vector<16xf32>
          %mul3A_268 = arith.mulf %max3A_240, %mul3A_267 : vector<16xf32>
          %sub3A_269 = arith.subf %mul3A_268, %get3A_3 : vector<16xf32>
          %mul3A_270 = arith.mulf %sub3A_269, %sub3A_269 : vector<16xf32>
          %mul3A_271 = arith.mulf %mul3A_270, %get3A_43 : vector<16xf32>
          %exp3A = math.exp %mul3A_271 : vector<16xf32>
          %swap3A = arith.constant 0 : i32
          %swap3A_272 = arith.index_cast %swap3A : i32 to index
          %swap3A_273 = arith.index_cast %mul3A_211 : i32 to index
          %swap3A_274 = tpu.vector_load %arg17[%swap3A_272, %swap3A_273] {strides = array<i32>} : memref<10x1024xf32, #tpu.memory_space<vmem>>, vector<16xf32>,
          tpu.vector_store %arg17[%swap3A_272, %swap3A_273], %exp3A {strides = array<i32>} : memref<10x1024xf32, #tpu.memory_space<vmem>>, vector<16xf32>,
          %sub3A_275 = arith.subf %mul3A_268, %get3A_7 : vector<16xf32>
          %mul3A_276 = arith.mulf %sub3A_275, %sub3A_275 : vector<16xf32>
          %mul3A_277 = arith.mulf %mul3A_276, %get3A_47 : vector<16xf32>
          %exp3A_278 = math.exp %mul3A_277 : vector<16xf32>
          %swap3A_279 = arith.constant 1 : i32
          %swap3A_280 = arith.index_cast %swap3A_279 : i32 to index
          %swap3A_281 = arith.index_cast %mul3A_211 : i32 to index
          %swap3A_282 = tpu.vector_load %arg17[%swap3A_280, %swap3A_281] {strides = array<i32>} : memref<10x1024xf32, #tpu.memory_space<vmem>>, vector<16xf32>,
          tpu.vector_store %arg17[%swap3A_280, %swap3A_281], %exp3A_278 {strides = array<i32>} : memref<10x1024xf32, #tpu.memory_space<vmem>>, vector<16xf32>,
          %sub3A_283 = arith.subf %mul3A_268, %get3A_11 : vector<16xf32>
          %mul3A_284 = arith.mulf %sub3A_283, %sub3A_283 : vector<16xf32>
          %mul3A_285 = arith.mulf %mul3A_284, %get3A_51 : vector<16xf32>
          %exp3A_286 = math.exp %mul3A_285 : vector<16xf32>
          %swap3A_287 = arith.constant 2 : i32
          %swap3A_288 = arith.index_cast %swap3A_287 : i32 to index
          %swap3A_289 = arith.index_cast %mul3A_211 : i32 to index
          %swap3A_290 = tpu.vector_load %arg17[%swap3A_288, %swap3A_289] {strides = array<i32>} : memref<10x1024xf32, #tpu.memory_space<vmem>>, vector<16xf32>,
          tpu.vector_store %arg17[%swap3A_288, %swap3A_289], %exp3A_286 {strides = array<i32>} : memref<10x1024xf32, #tpu.memory_space<vmem>>, vector<16xf32>,
          %sub3A_291 = arith.subf %mul3A_268, %get3A_15 : vector<16xf32>
          %mul3A_292 = arith.mulf %sub3A_291, %sub3A_291 : vector<16xf32>
          %mul3A_293 = arith.mulf %mul3A_292, %get3A_55 : vector<16xf32>
          %exp3A_294 = math.exp %mul3A_293 : vector<16xf32>
          %swap3A_295 = arith.constant 3 : i32
          %swap3A_296 = arith.index_cast %swap3A_295 : i32 to index
          %swap3A_297 = arith.index_cast %mul3A_211 : i32 to index
          %swap3A_298 = tpu.vector_load %arg17[%swap3A_296, %swap3A_297] {strides = array<i32>} : memref<10x1024xf32, #tpu.memory_space<vmem>>, vector<16xf32>,
          tpu.vector_store %arg17[%swap3A_296, %swap3A_297], %exp3A_294 {strides = array<i32>} : memref<10x1024xf32, #tpu.memory_space<vmem>>, vector<16xf32>,
          %sub3A_299 = arith.subf %mul3A_268, %get3A_19 : vector<16xf32>
          %mul3A_300 = arith.mulf %sub3A_299, %sub3A_299 : vector<16xf32>
          %mul3A_301 = arith.mulf %mul3A_300, %get3A_59 : vector<16xf32>
          %exp3A_302 = math.exp %mul3A_301 : vector<16xf32>
          %swap3A_303 = arith.constant 4 : i32
          %swap3A_304 = arith.index_cast %swap3A_303 : i32 to index
          %swap3A_305 = arith.index_cast %mul3A_211 : i32 to index
          %swap3A_306 = tpu.vector_load %arg17[%swap3A_304, %swap3A_305] {strides = array<i32>} : memref<10x1024xf32, #tpu.memory_space<vmem>>, vector<16xf32>,
          tpu.vector_store %arg17[%swap3A_304, %swap3A_305], %exp3A_302 {strides = array<i32>} : memref<10x1024xf32, #tpu.memory_space<vmem>>, vector<16xf32>,
          %sub3A_307 = arith.subf %mul3A_268, %get3A_23 : vector<16xf32>
          %mul3A_308 = arith.mulf %sub3A_307, %sub3A_307 : vector<16xf32>
          %mul3A_309 = arith.mulf %mul3A_308, %get3A_63 : vector<16xf32>
          %exp3A_310 = math.exp %mul3A_309 : vector<16xf32>
          %swap3A_311 = arith.constant 5 : i32
          %swap3A_312 = arith.index_cast %swap3A_311 : i32 to index
          %swap3A_313 = arith.index_cast %mul3A_211 : i32 to index
          %swap3A_314 = tpu.vector_load %arg17[%swap3A_312, %swap3A_313] {strides = array<i32>} : memref<10x1024xf32, #tpu.memory_space<vmem>>, vector<16xf32>,
          tpu.vector_store %arg17[%swap3A_312, %swap3A_313], %exp3A_310 {strides = array<i32>} : memref<10x1024xf32, #tpu.memory_space<vmem>>, vector<16xf32>,
          %sub3A_315 = arith.subf %mul3A_268, %get3A_27 : vector<16xf32>
          %mul3A_316 = arith.mulf %sub3A_315, %sub3A_315 : vector<16xf32>
          %mul3A_317 = arith.mulf %mul3A_316, %get3A_67 : vector<16xf32>
          %exp3A_318 = math.exp %mul3A_317 : vector<16xf32>
          %swap3A_319 = arith.constant 6 : i32
          %swap3A_320 = arith.index_cast %swap3A_319 : i32 to index
          %swap3A_321 = arith.index_cast %mul3A_211 : i32 to index
          %swap3A_322 = tpu.vector_load %arg17[%swap3A_320, %swap3A_321] {strides = array<i32>} : memref<10x1024xf32, #tpu.memory_space<vmem>>, vector<16xf32>,
          tpu.vector_store %arg17[%swap3A_320, %swap3A_321], %exp3A_318 {strides = array<i32>} : memref<10x1024xf32, #tpu.memory_space<vmem>>, vector<16xf32>,
          %sub3A_323 = arith.subf %mul3A_268, %get3A_31 : vector<16xf32>
          %mul3A_324 = arith.mulf %sub3A_323, %sub3A_323 : vector<16xf32>
          %mul3A_325 = arith.mulf %mul3A_324, %get3A_71 : vector<16xf32>
          %exp3A_326 = math.exp %mul3A_325 : vector<16xf32>
          %swap3A_327 = arith.constant 7 : i32
          %swap3A_328 = arith.index_cast %swap3A_327 : i32 to index
          %swap3A_329 = arith.index_cast %mul3A_211 : i32 to index
          %swap3A_330 = tpu.vector_load %arg17[%swap3A_328, %swap3A_329] {strides = array<i32>} : memref<10x1024xf32, #tpu.memory_space<vmem>>, vector<16xf32>,
          tpu.vector_store %arg17[%swap3A_328, %swap3A_329], %exp3A_326 {strides = array<i32>} : memref<10x1024xf32, #tpu.memory_space<vmem>>, vector<16xf32>,
          %sub3A_331 = arith.subf %mul3A_268, %get3A_35 : vector<16xf32>
          %mul3A_332 = arith.mulf %sub3A_331, %sub3A_331 : vector<16xf32>
          %mul3A_333 = arith.mulf %mul3A_332, %get3A_75 : vector<16xf32>
          %exp3A_334 = math.exp %mul3A_333 : vector<16xf32>
          %swap3A_335 = arith.constant 8 : i32
          %swap3A_336 = arith.index_cast %swap3A_335 : i32 to index
          %swap3A_337 = arith.index_cast %mul3A_211 : i32 to index
          %swap3A_338 = tpu.vector_load %arg17[%swap3A_336, %swap3A_337] {strides = array<i32>} : memref<10x1024xf32, #tpu.memory_space<vmem>>, vector<16xf32>,
          tpu.vector_store %arg17[%swap3A_336, %swap3A_337], %exp3A_334 {strides = array<i32>} : memref<10x1024xf32, #tpu.memory_space<vmem>>, vector<16xf32>,
          %sub3A_339 = arith.subf %mul3A_268, %get3A_39 : vector<16xf32>
          %mul3A_340 = arith.mulf %sub3A_339, %sub3A_339 : vector<16xf32>
          %mul3A_341 = arith.mulf %mul3A_340, %get3A_79 : vector<16xf32>
          %exp3A_342 = math.exp %mul3A_341 : vector<16xf32>
          %swap3A_343 = arith.constant 9 : i32
          %swap3A_344 = arith.index_cast %swap3A_343 : i32 to index
          %swap3A_345 = arith.index_cast %mul3A_211 : i32 to index
          %swap3A_346 = tpu.vector_load %arg17[%swap3A_344, %swap3A_345] {strides = array<i32>} : memref<10x1024xf32, #tpu.memory_space<vmem>>, vector<16xf32>,
          tpu.vector_store %arg17[%swap3A_344, %swap3A_345], %exp3A_342 {strides = array<i32>} : memref<10x1024xf32, #tpu.memory_space<vmem>>, vector<16xf32>,
          %scan3A_347 = arith.constant 1 : i32
          %scan3A_348 = arith.addi %scan3A_209, %scan3A_347 : i32
          %mul3A_349 = arith.constant 16 : i32
          %mul3A_350 = arith.muli %scan3A_348, %mul3A_349 : i32
          %mul3A_351 = arith.constant 16 : i32
          %mul3A_352 = arith.muli %scan3A_348, %mul3A_351 : i32
          %add3A_353 = arith.constant 1024 : i32
          %add3A_354 = arith.addi %add3A_353, %mul3A_352 : i32
          %mul3A_355 = arith.constant 16 : i32
          %mul3A_356 = arith.muli %scan3A_348, %mul3A_355 : i32
          %add3A_357 = arith.constant 2048 : i32
          %add3A_358 = arith.addi %add3A_357, %mul3A_356 : i32
          %get3A_359 = arith.index_cast %mul3A_350 : i32 to index
          %get3A_360 = tpu.vector_load %arg13[%get3A_359] {strides = array<i32>} : memref<3072xf32, #tpu.memory_space<vmem>>, vector<16xf32>,
          %get3A_361 = arith.index_cast %mul3A_350 : i32 to index
          %get3A_362 = tpu.vector_load %arg15[%get3A_361] {strides = array<i32>} : memref<3072xf32, #tpu.memory_space<vmem>>, vector<16xf32>,
          %sub3A_363 = arith.subf %get3A_360, %get3A_362 : vector<16xf32>
          %get3A_364 = arith.index_cast %add3A_354 : i32 to index
          %get3A_365 = tpu.vector_load %arg13[%get3A_364] {strides = array<i32>} : memref<3072xf32, #tpu.memory_space<vmem>>, vector<16xf32>,
          %get3A_366 = arith.index_cast %add3A_354 : i32 to index
          %get3A_367 = tpu.vector_load %arg15[%get3A_366] {strides = array<i32>} : memref<3072xf32, #tpu.memory_space<vmem>>, vector<16xf32>,
          %sub3A_368 = arith.subf %get3A_365, %get3A_367 : vector<16xf32>
          %get3A_369 = arith.index_cast %add3A_358 : i32 to index
          %get3A_370 = tpu.vector_load %arg13[%get3A_369] {strides = array<i32>} : memref<3072xf32, #tpu.memory_space<vmem>>, vector<16xf32>,
          %get3A_371 = arith.index_cast %add3A_358 : i32 to index
          %get3A_372 = tpu.vector_load %arg15[%get3A_371] {strides = array<i32>} : memref<3072xf32, #tpu.memory_space<vmem>>, vector<16xf32>,
          %sub3A_373 = arith.subf %get3A_370, %get3A_372 : vector<16xf32>
          %mul3A_374 = arith.mulf %sub3A_363, %sub3A_363 : vector<16xf32>
          %mul3A_375 = arith.mulf %sub3A_368, %sub3A_368 : vector<16xf32>
          %add3A_376 = arith.addf %mul3A_374, %mul3A_375 : vector<16xf32>
          %mul3A_377 = arith.mulf %sub3A_373, %sub3A_373 : vector<16xf32>
          %add3A_378 = arith.addf %add3A_376, %mul3A_377 : vector<16xf32>
          %max3A_379 = arith.constant 1.000000e-30 : f32
          %max3A_380 = vector.broadcast %max3A_379 : f32 to vector<16xf32>
          %max3A_381 = arith.maximumf %add3A_378, %max3A_380 : vector<16xf32>
          %bitcast_convert_type3A_382 = tpu.bitcast %max3A_381 : vector<16xf32> -> vector<16xi32>
          %shift_right_logical3A_383 = arith.constant 1 : i32
          %shift_right_logical3A_384 = vector.broadcast %shift_right_logical3A_383 : i32 to vector<16xi32>
          %shift_right_logical3A_385 = arith.shrui %bitcast_convert_type3A_382, %shift_right_logical3A_384 : vector<16xi32>
          %sub3A_386 = arith.constant 1597463007 : i32
          %sub3A_387 = vector.broadcast %sub3A_386 : i32 to vector<16xi32>
          %sub3A_388 = arith.subi %sub3A_387, %shift_right_logical3A_385 : vector<16xi32>
          %bitcast_convert_type3A_389 = tpu.bitcast %sub3A_388 : vector<16xi32> -> vector<16xf32>
          %mul3A_390 = arith.constant 5.000000e-01 : f32
          %mul3A_391 = vector.broadcast %mul3A_390 : f32 to vector<16xf32>
          %mul3A_392 = arith.mulf %mul3A_391, %max3A_381 : vector<16xf32>
          %mul3A_393 = arith.mulf %mul3A_392, %bitcast_convert_type3A_389 : vector<16xf32>
          %mul3A_394 = arith.mulf %mul3A_393, %bitcast_convert_type3A_389 : vector<16xf32>
          %sub3A_395 = arith.constant 1.500000e+00 : f32
          %sub3A_396 = vector.broadcast %sub3A_395 : f32 to vector<16xf32>
          %sub3A_397 = arith.subf %sub3A_396, %mul3A_394 : vector<16xf32>
          %mul3A_398 = arith.mulf %bitcast_convert_type3A_389, %sub3A_397 : vector<16xf32>
          %mul3A_399 = arith.mulf %mul3A_392, %mul3A_398 : vector<16xf32>
          %mul3A_400 = arith.mulf %mul3A_399, %mul3A_398 : vector<16xf32>
          %sub3A_401 = arith.constant 1.500000e+00 : f32
          %sub3A_402 = vector.broadcast %sub3A_401 : f32 to vector<16xf32>
          %sub3A_403 = arith.subf %sub3A_402, %mul3A_400 : vector<16xf32>
          %mul3A_404 = arith.mulf %mul3A_398, %sub3A_403 : vector<16xf32>
          %mul3A_405 = arith.mulf %mul3A_392, %mul3A_404 : vector<16xf32>
          %mul3A_406 = arith.mulf %mul3A_405, %mul3A_404 : vector<16xf32>
          %sub3A_407 = arith.constant 1.500000e+00 : f32
          %sub3A_408 = vector.broadcast %sub3A_407 : f32 to vector<16xf32>
          %sub3A_409 = arith.subf %sub3A_408, %mul3A_406 : vector<16xf32>
          %mul3A_410 = arith.mulf %mul3A_404, %sub3A_409 : vector<16xf32>
          %mul3A_411 = arith.mulf %max3A_381, %mul3A_410 : vector<16xf32>
          %sub3A_412 = arith.subf %mul3A_411, %get3A_3 : vector<16xf32>
          %mul3A_413 = arith.mulf %sub3A_412, %sub3A_412 : vector<16xf32>
          %mul3A_414 = arith.mulf %mul3A_413, %get3A_43 : vector<16xf32>
          %exp3A_415 = math.exp %mul3A_414 : vector<16xf32>
          %swap3A_416 = arith.constant 0 : i32
          %swap3A_417 = arith.index_cast %swap3A_416 : i32 to index
          %swap3A_418 = arith.index_cast %mul3A_350 : i32 to index
          %swap3A_419 = tpu.vector_load %arg17[%swap3A_417, %swap3A_418] {strides = array<i32>} : memref<10x1024xf32, #tpu.memory_space<vmem>>, vector<16xf32>,
          tpu.vector_store %arg17[%swap3A_417, %swap3A_418], %exp3A_415 {strides = array<i32>} : memref<10x1024xf32, #tpu.memory_space<vmem>>, vector<16xf32>,
          %sub3A_420 = arith.subf %mul3A_411, %get3A_7 : vector<16xf32>
          %mul3A_421 = arith.mulf %sub3A_420, %sub3A_420 : vector<16xf32>
          %mul3A_422 = arith.mulf %mul3A_421, %get3A_47 : vector<16xf32>
          %exp3A_423 = math.exp %mul3A_422 : vector<16xf32>
          %swap3A_424 = arith.constant 1 : i32
          %swap3A_425 = arith.index_cast %swap3A_424 : i32 to index
          %swap3A_426 = arith.index_cast %mul3A_350 : i32 to index
          %swap3A_427 = tpu.vector_load %arg17[%swap3A_425, %swap3A_426] {strides = array<i32>} : memref<10x1024xf32, #tpu.memory_space<vmem>>, vector<16xf32>,
          tpu.vector_store %arg17[%swap3A_425, %swap3A_426], %exp3A_423 {strides = array<i32>} : memref<10x1024xf32, #tpu.memory_space<vmem>>, vector<16xf32>,
          %sub3A_428 = arith.subf %mul3A_411, %get3A_11 : vector<16xf32>
          %mul3A_429 = arith.mulf %sub3A_428, %sub3A_428 : vector<16xf32>
          %mul3A_430 = arith.mulf %mul3A_429, %get3A_51 : vector<16xf32>
          %exp3A_431 = math.exp %mul3A_430 : vector<16xf32>
          %swap3A_432 = arith.constant 2 : i32
          %swap3A_433 = arith.index_cast %swap3A_432 : i32 to index
          %swap3A_434 = arith.index_cast %mul3A_350 : i32 to index
          %swap3A_435 = tpu.vector_load %arg17[%swap3A_433, %swap3A_434] {strides = array<i32>} : memref<10x1024xf32, #tpu.memory_space<vmem>>, vector<16xf32>,
          tpu.vector_store %arg17[%swap3A_433, %swap3A_434], %exp3A_431 {strides = array<i32>} : memref<10x1024xf32, #tpu.memory_space<vmem>>, vector<16xf32>,
          %sub3A_436 = arith.subf %mul3A_411, %get3A_15 : vector<16xf32>
          %mul3A_437 = arith.mulf %sub3A_436, %sub3A_436 : vector<16xf32>
          %mul3A_438 = arith.mulf %mul3A_437, %get3A_55 : vector<16xf32>
          %exp3A_439 = math.exp %mul3A_438 : vector<16xf32>
          %swap3A_440 = arith.constant 3 : i32
          %swap3A_441 = arith.index_cast %swap3A_440 : i32 to index
          %swap3A_442 = arith.index_cast %mul3A_350 : i32 to index
          %swap3A_443 = tpu.vector_load %arg17[%swap3A_441, %swap3A_442] {strides = array<i32>} : memref<10x1024xf32, #tpu.memory_space<vmem>>, vector<16xf32>,
          tpu.vector_store %arg17[%swap3A_441, %swap3A_442], %exp3A_439 {strides = array<i32>} : memref<10x1024xf32, #tpu.memory_space<vmem>>, vector<16xf32>,
          %sub3A_444 = arith.subf %mul3A_411, %get3A_19 : vector<16xf32>
          %mul3A_445 = arith.mulf %sub3A_444, %sub3A_444 : vector<16xf32>
          %mul3A_446 = arith.mulf %mul3A_445, %get3A_59 : vector<16xf32>
          %exp3A_447 = math.exp %mul3A_446 : vector<16xf32>
          %swap3A_448 = arith.constant 4 : i32
          %swap3A_449 = arith.index_cast %swap3A_448 : i32 to index
          %swap3A_450 = arith.index_cast %mul3A_350 : i32 to index
          %swap3A_451 = tpu.vector_load %arg17[%swap3A_449, %swap3A_450] {strides = array<i32>} : memref<10x1024xf32, #tpu.memory_space<vmem>>, vector<16xf32>,
          tpu.vector_store %arg17[%swap3A_449, %swap3A_450], %exp3A_447 {strides = array<i32>} : memref<10x1024xf32, #tpu.memory_space<vmem>>, vector<16xf32>,
          %sub3A_452 = arith.subf %mul3A_411, %get3A_23 : vector<16xf32>
          %mul3A_453 = arith.mulf %sub3A_452, %sub3A_452 : vector<16xf32>
          %mul3A_454 = arith.mulf %mul3A_453, %get3A_63 : vector<16xf32>
          %exp3A_455 = math.exp %mul3A_454 : vector<16xf32>
          %swap3A_456 = arith.constant 5 : i32
          %swap3A_457 = arith.index_cast %swap3A_456 : i32 to index
          %swap3A_458 = arith.index_cast %mul3A_350 : i32 to index
          %swap3A_459 = tpu.vector_load %arg17[%swap3A_457, %swap3A_458] {strides = array<i32>} : memref<10x1024xf32, #tpu.memory_space<vmem>>, vector<16xf32>,
          tpu.vector_store %arg17[%swap3A_457, %swap3A_458], %exp3A_455 {strides = array<i32>} : memref<10x1024xf32, #tpu.memory_space<vmem>>, vector<16xf32>,
          %sub3A_460 = arith.subf %mul3A_411, %get3A_27 : vector<16xf32>
          %mul3A_461 = arith.mulf %sub3A_460, %sub3A_460 : vector<16xf32>
          %mul3A_462 = arith.mulf %mul3A_461, %get3A_67 : vector<16xf32>
          %exp3A_463 = math.exp %mul3A_462 : vector<16xf32>
          %swap3A_464 = arith.constant 6 : i32
          %swap3A_465 = arith.index_cast %swap3A_464 : i32 to index
          %swap3A_466 = arith.index_cast %mul3A_350 : i32 to index
          %swap3A_467 = tpu.vector_load %arg17[%swap3A_465, %swap3A_466] {strides = array<i32>} : memref<10x1024xf32, #tpu.memory_space<vmem>>, vector<16xf32>,
          tpu.vector_store %arg17[%swap3A_465, %swap3A_466], %exp3A_463 {strides = array<i32>} : memref<10x1024xf32, #tpu.memory_space<vmem>>, vector<16xf32>,
          %sub3A_468 = arith.subf %mul3A_411, %get3A_31 : vector<16xf32>
          %mul3A_469 = arith.mulf %sub3A_468, %sub3A_468 : vector<16xf32>
          %mul3A_470 = arith.mulf %mul3A_469, %get3A_71 : vector<16xf32>
          %exp3A_471 = math.exp %mul3A_470 : vector<16xf32>
          %swap3A_472 = arith.constant 7 : i32
          %swap3A_473 = arith.index_cast %swap3A_472 : i32 to index
          %swap3A_474 = arith.index_cast %mul3A_350 : i32 to index
          %swap3A_475 = tpu.vector_load %arg17[%swap3A_473, %swap3A_474] {strides = array<i32>} : memref<10x1024xf32, #tpu.memory_space<vmem>>, vector<16xf32>,
          tpu.vector_store %arg17[%swap3A_473, %swap3A_474], %exp3A_471 {strides = array<i32>} : memref<10x1024xf32, #tpu.memory_space<vmem>>, vector<16xf32>,
          %sub3A_476 = arith.subf %mul3A_411, %get3A_35 : vector<16xf32>
          %mul3A_477 = arith.mulf %sub3A_476, %sub3A_476 : vector<16xf32>
          %mul3A_478 = arith.mulf %mul3A_477, %get3A_75 : vector<16xf32>
          %exp3A_479 = math.exp %mul3A_478 : vector<16xf32>
          %swap3A_480 = arith.constant 8 : i32
          %swap3A_481 = arith.index_cast %swap3A_480 : i32 to index
          %swap3A_482 = arith.index_cast %mul3A_350 : i32 to index
          %swap3A_483 = tpu.vector_load %arg17[%swap3A_481, %swap3A_482] {strides = array<i32>} : memref<10x1024xf32, #tpu.memory_space<vmem>>, vector<16xf32>,
          tpu.vector_store %arg17[%swap3A_481, %swap3A_482], %exp3A_479 {strides = array<i32>} : memref<10x1024xf32, #tpu.memory_space<vmem>>, vector<16xf32>,
          %sub3A_484 = arith.subf %mul3A_411, %get3A_39 : vector<16xf32>
          %mul3A_485 = arith.mulf %sub3A_484, %sub3A_484 : vector<16xf32>
          %mul3A_486 = arith.mulf %mul3A_485, %get3A_79 : vector<16xf32>
          %exp3A_487 = math.exp %mul3A_486 : vector<16xf32>
          %swap3A_488 = arith.constant 9 : i32
          %swap3A_489 = arith.index_cast %swap3A_488 : i32 to index
          %swap3A_490 = arith.index_cast %mul3A_350 : i32 to index
          %swap3A_491 = tpu.vector_load %arg17[%swap3A_489, %swap3A_490] {strides = array<i32>} : memref<10x1024xf32, #tpu.memory_space<vmem>>, vector<16xf32>,
          tpu.vector_store %arg17[%swap3A_489, %swap3A_490], %exp3A_487 {strides = array<i32>} : memref<10x1024xf32, #tpu.memory_space<vmem>>, vector<16xf32>,
        }
        %scan3A_199 = arith.constant 64 : i32
        %mul3A_200 = arith.constant 32 : i32
        %mul3A_201 = arith.muli %add3A_172, %mul3A_200 : i32
        %add3A_202 = arith.addi %mul3A_201, %add3A : i32
        %mul3A_203 = arith.constant 1024 : i32
        %mul3A_204 = arith.muli %add3A_202, %mul3A_203 : i32
        %dma_start3A_205 = arith.constant 0 : i32
        %dma_start3A_206 = tpu.memref_slice %arg5[%dma_start3A_205, %mul3A_204] : memref<10x3200000xf32, #tpu.memory_space<hbm>> -> memref<10x1024xf32, #tpu.memory_space<hbm>>
        %dma_start3A_207 = arith.constant 0 : i32
        %dma_start3A_208 = tpu.memref_slice %arg5[%dma_start3A_207, %mul3A_204] : memref<10x3200000xf32, #tpu.memory_space<hbm>> -> memref<10x1024xf32, #tpu.memory_space<hbm>>
        tpu.enqueue_dma source(%arg17 : memref<10x1024xf32, #tpu.memory_space<vmem>>) target(%dma_start3A_208 : memref<10x1024xf32, #tpu.memory_space<hbm>>) target_semaphore(%arg26 : memref<!tpu.dma_semaphore, #tpu.memory_space<semaphore_mem>>)
      } else {
      }
    }
    %scan3A_109 = arith.constant 49 : i32
    %add3A_110 = arith.constant 0 : i32
    %add3A_111 = arith.addi %add3A_110, %add3A : i32
    %mul3A_112 = arith.constant 1024 : i32
    %mul3A_113 = arith.muli %add3A_111, %mul3A_112 : i32
    %dma_wait3A = arith.constant 0 : i32
    %dma_wait3A_114 = tpu.memref_slice %arg5[%dma_wait3A, %mul3A_113] : memref<10x3200000xf32, #tpu.memory_space<hbm>> -> memref<10x1024xf32, #tpu.memory_space<hbm>>
    %dma_wait3A_115 = arith.constant 0 : i32
    %dma_wait3A_116 = tpu.memref_slice %arg5[%dma_wait3A_115, %mul3A_113] : memref<10x3200000xf32, #tpu.memory_space<hbm>> -> memref<10x1024xf32, #tpu.memory_space<hbm>>
    tpu.wait_dma2 semaphore(%arg25 : memref<!tpu.dma_semaphore, #tpu.memory_space<semaphore_mem>>) src(%arg16 : memref<10x1024xf32, #tpu.memory_space<vmem>>) dst(%dma_wait3A_116 : memref<10x1024xf32, #tpu.memory_space<hbm>>)
    %add3A_117 = arith.constant 0 : i32
    %add3A_118 = arith.addi %add3A_117, %add3A : i32
    %mul3A_119 = arith.constant 1024 : i32
    %mul3A_120 = arith.muli %add3A_118, %mul3A_119 : i32
    %dma_wait3A_121 = arith.constant 0 : i32
    %dma_wait3A_122 = tpu.memref_slice %arg5[%dma_wait3A_121, %mul3A_120] : memref<10x3200000xf32, #tpu.memory_space<hbm>> -> memref<10x1024xf32, #tpu.memory_space<hbm>>
    %dma_wait3A_123 = arith.constant 0 : i32
    %dma_wait3A_124 = tpu.memref_slice %arg5[%dma_wait3A_123, %mul3A_120] : memref<10x3200000xf32, #tpu.memory_space<hbm>> -> memref<10x1024xf32, #tpu.memory_space<hbm>>
    tpu.wait_dma2 semaphore(%arg26 : memref<!tpu.dma_semaphore, #tpu.memory_space<semaphore_mem>>) src(%arg17 : memref<10x1024xf32, #tpu.memory_space<vmem>>) dst(%dma_wait3A_124 : memref<10x1024xf32, #tpu.memory_space<hbm>>)
    return
  }
}

</mosaic_0001>

<sc_bundles>
// kernel: _gbf_sc.3.cloned.1.call-start
scs
__scs_entry_jumppad:
0x0: {  	(pc) =	sbr.rel $0x88, $3  }
0x1: {  	(tag) =	ssettag $0x0;
	lr =	simm.s32 $0x1  }
0x2: {  	[smem:$0x3F9E] =	sst lr;
	_ =	strace $0xD0000000  }
0x3: {  	_ = 	snop  }
0x4: {  	_ = 	snop  }
0x5: {  	_ = 	snop  }
0x6: {  	_ = 	snop  }
0x7: {  	_ = 	snop  }
__scs_overlays_trampoline_lowered:
0x8: {  	[smem:$0x3FAD] =	sst s0  }
0x9: {  	[smem:$0x3FAE] =	sst s1  }
0xa: {  	[smem:$0x3FAF] =	sst s2  }
0xb: {  	[smem:$0x3FB0] =	sst s3  }
0xc: {  	[smem:$0x3FB1] =	sst s4  }
0xd: {  	[smem:$0x3FB2] =	sst s5  }
0xe: {  	[smem:$0x3FB3] =	sst s6  }
0xf: {  	[smem:$0x3FB4] =	sst s7  }
0x10: {  	[smem:$0x3FB5] =	sst s8  }
0x11: {  	[smem:$0x3FB6] =	sst s9;
	s0 =	simm.s32 @!p0 $0x0  }
0x12: {  	s1 =	sld [smem:$0x3F9C];
	s0 =	simm.s32 @p0 $0x1  }
0x13: {  	[smem:$0x3FB7] =	sst s0;
	s0 =	simm.s32 @!p1 $0x0  }
0x14: {  	s2 =	sld [smem:$0x3F9B];
	s0 =	simm.s32 @p1 $0x1  }
0x15: {  	[smem:$0x3FB8] =	sst s0;
	s0 =	simm.s32 @!p2 $0x0  }
0x16: {  	s3 =	sld [smem:$0x3FDB];
	s0 =	simm.s32 @p2 $0x1  }
0x17: {  	s4 =	simm.s32 $0x1BF5;
	[smem:$0x3FBA] =	sst s0  }
0x18: {  	s0 =	sld [smem:$0x3F9D];
	_ =	swait.ge [sflag:s4], $0x0  }
0x19: {  	s7 =	sld [smem:$0x3F9E]  }
0x1a: {  	s8 =	sadd.s32 $0xFFFFE003, lr  }
0x1b: {  	s9 =	sadd.s32 $0xFFFFFEF7, lr;
	s5 =	simm.s32 $0xFFFFFFFF;
	p2 =	slt.u32 s8, $0xFFFFF086  }
0x1c: {  	p1 =	slt.u32 s9, $0xF7A;
	s5 =	simm.s32 @!p2 $0x0  }
0x1d: {  	s5 =	simm.s32 @p1 $0x1;
	p0 =	seq.s32 s7, s2  }
0x1e: {  	s7 =	smul.u32 @!p0 $0xF7A, s2;
	p2 =	seq.s32 @!p0 s5, $0x0  }
0x1f: {  	s9 =	smul.u32 $0xF7A, s1;
	s8 =	simm.s32 @!p0 $0x1BF5;
	p2 =	por !p2, p0  }
0x20: {  	[sflag:s8] =	ssyncset.s32 @!p0 $0xFFFFF086;
	s6 =	sadd.s32 @!p0 s3, s7;
	s7 =	simm.s32 @!p0 $0x108  }
0x21: {  	s3 =	sadd.s32 s3, s9;
	s6 =	sadd.s32 @!p0 $0x88, s6;
	s7 =	simm.s32 @p2 $0x1082  }
0x22: {  	[simem:s7], [sflag:s8] =	dma.local @!p0 [hbm:s6], $0xF7A  }
0x23: {  	s9 =	sor.u32 $0xD0000000, s2;
	s6 =	simm.s32 $0x108;
	_ =	swait.ge @!p0 [sflag:s8], $0x0  }
0x24: {  	s3 =	sadd.s32 $0x88, s3;
	s6 =	simm.s32 @!p1 $0x1082;
	[sflag:s4] =	ssyncset.s32 $0xFFFFF086  }
0x25: {  	[simem:s6], [sflag:s4] =	dma.local [hbm:s3], $0xF7A  }
0x26: {  	[smem:$0x3F9E] =	sst s1;
	(tag) =	ssettag s2;
	_ =	strace s9  }
0x27: {  	s1 =	sld [smem:$0x3FAE]  }
0x28: {  	s2 =	sld [smem:$0x3FAF]  }
0x29: {  	s4 =	sld [smem:$0x3FB1]  }
0x2a: {  	p0 =	seq.s32 s5, $0x0;
	s5 =	sld [smem:$0x3FB2]  }
0x2b: {  	s6 =	sld [smem:$0x3FB3]  }
0x2c: {  	s7 =	sld [smem:$0x3FB4]  }
0x2d: {  	s3 =	simm.s32 $0x108;
	s8 =	sld [smem:$0x3FB5]  }
0x2e: {  	s3 =	simm.s32 @!p0 $0x1082;
	s9 =	sld [smem:$0x3FB6]  }
0x2f: {  	lr =	sadd.s32 s0, s3;
	s0 =	sld [smem:$0x3FAD]  }
0x30: {  	s3 =	sld [smem:$0x3FB0]  }
0x31: {  	[smem:$0x3FB9] =	sst s10  }
0x32: {  	s10 =	sld [smem:$0x3FB7];
	_ =	sdelay $0x3  }
0x33: {  	p0 =	seq.s32 s10, $0x1;
	s10 =	sld [smem:$0x3FB9];
	_ =	sdelay $0x3  }
0x34: {  	[smem:$0x3FB9] =	sst s10  }
0x35: {  	s10 =	sld [smem:$0x3FB8];
	_ =	sdelay $0x3  }
0x36: {  	p1 =	seq.s32 s10, $0x1;
	s10 =	sld [smem:$0x3FB9];
	_ =	sdelay $0x3  }
0x37: {  	[smem:$0x3FB9] =	sst s10  }
0x38: {  	s10 =	sld [smem:$0x3FBA]  }
0x39: {  	_ = 	snop;
	(pc) =	sbr.ind lr, $3  }
0x3a: {  	_ = 	snop  }
0x3b: {  	_ = 	snop  }
0x3c: {  	p2 =	seq.s32 s10, $0x1;
	s10 =	sld [smem:$0x3FB9]  }
0x3d: {  	_ =	shalt  }
0x3e: {  	_ =	shalt  }
0x3f: {  	_ =	shalt  }
0x40: {  	_ =	shalt  }
0x41: {  	_ =	shalt  }
0x42: {  	_ =	shalt  }
0x43: {  	_ =	shalt  }
0x44: {  	_ =	shalt  }
0x45: {  	_ =	shalt  }
0x46: {  	_ =	shalt  }
0x47: {  	_ =	shalt  }
0x48: {  	_ =	shalt  }
0x49: {  	_ =	shalt  }
0x4a: {  	_ =	shalt  }
0x4b: {  	_ =	shalt  }
0x4c: {  	_ =	shalt  }
0x4d: {  	_ =	shalt  }
0x4e: {  	_ =	shalt  }
0x4f: {  	_ =	shalt  }
0x50: {  	_ =	shalt  }
0x51: {  	_ =	shalt  }
0x52: {  	_ =	shalt  }
0x53: {  	_ =	shalt  }
0x54: {  	_ =	shalt  }
0x55: {  	_ =	shalt  }
0x56: {  	_ =	shalt  }
0x57: {  	_ =	shalt  }
0x58: {  	_ =	shalt  }
0x59: {  	_ =	shalt  }
0x5a: {  	_ =	shalt  }
0x5b: {  	_ =	shalt  }
0x5c: {  	_ =	shalt  }
0x5d: {  	_ =	shalt  }
0x5e: {  	_ =	shalt  }
0x5f: {  	_ =	shalt  }
0x60: {  	_ =	shalt  }
0x61: {  	_ =	shalt  }
0x62: {  	_ =	shalt  }
0x63: {  	_ =	shalt  }
0x64: {  	_ =	shalt  }
0x65: {  	_ =	shalt  }
0x66: {  	_ =	shalt  }
0x67: {  	_ =	shalt  }
0x68: {  	_ =	shalt  }
0x69: {  	_ =	shalt  }
0x6a: {  	_ =	shalt  }
0x6b: {  	_ =	shalt  }
0x6c: {  	_ =	shalt  }
0x6d: {  	_ =	shalt  }
0x6e: {  	_ =	shalt  }
0x6f: {  	_ =	shalt  }
0x70: {  	_ =	shalt  }
0x71: {  	_ =	shalt  }
0x72: {  	_ =	shalt  }
0x73: {  	_ =	shalt  }
0x74: {  	_ =	shalt  }
0x75: {  	_ =	shalt  }
0x76: {  	_ =	shalt  }
0x77: {  	_ =	shalt  }
0x78: {  	_ =	shalt  }
0x79: {  	_ =	shalt  }
0x7a: {  	_ =	shalt  }
0x7b: {  	_ =	shalt  }
0x7c: {  	_ =	shalt  }
0x7d: {  	_ =	shalt  }
0x7e: {  	_ =	shalt  }
0x7f: {  	_ =	shalt  }
0x80: {  	_ =	shalt  }
0x81: {  	_ =	shalt  }
0x82: {  	_ =	shalt  }
0x83: {  	_ =	shalt  }
0x84: {  	_ =	shalt  }
0x85: {  	_ =	shalt  }
0x86: {  	_ =	shalt  }
0x87: {  	_ =	shalt  }
.Lfunc_end0:
.L_simem_size_0:
called_computation_lowered:
.L_overlay_start_0:
0x88: {  	s2 =	sld [smem:$0x3FD9]  }
0x89: {  	s3 =	sld [smem:$0x3FFE];
	_ =	sdelay $0x1  }
0x8a: {  	s1 =	srdreg.scid  }
0x8b: {  	s0 =	sand.u32 $0x1, s1  }
0x8c: {  	s17 =	sshll.u32 s0, $0xA;
	s2 =	sadd.s32 s3, s2  }
0x8d: {  	s2 =	sadd.s32 s2, s17  }
0x8e: {  	[smem:$0x3FC5] =	sst s2  }
0x8f: {  	_ = 	snop  }
0x90: {  	s2 =	sld [smem:$0x3FC9]  }
0x91: {  	s18 =	sld [smem:$0x3FC8]  }
0x92: {  	s4 =	sld [smem:$0x3FD0];
	(tm) =	ssettm $0x1  }
0x93: {  	s5 =	sld [smem:$0x3FFB];
	_ =	sdelay $0x3  }
0x94: {  	_ =	strace s5  }
0x95: {  	s5 =	sld [smem:$0x3FFC];
	_ =	sdelay $0x3  }
0x96: {  	_ =	strace s5  }
0x97: {  	s5 =	sld [smem:$0x3FFD];
	_ =	sdelay $0x3  }
0x98: {  	_ =	strace s5  }
0x99: {  	_ =	strace $0x8FFFFFFF  }
0x9a: {  	s19 =	sld [smem:$0x3FDB];
	_ =	sdelay $0x1  }
0x9b: {  	s6 =	simm.s32 $_scs_section_size  }
0x9c: {  	s7 =	simm.s32 $_size__tile_overlayer_lowered;
	s8 =	simm.s32 $_tile_overlayer_lowered  }
0x9d: {  	s22 =	simm.s32 $0x1BFF;
	s21 =	sshll.u32 s8, $0x1;
	s5 =	sadd.s32 s6, s19  }
0x9e: {  	s9 =	simm.s32 $0x0;
	s20 =	sshll.u32 s7, $0x1;
	s7 =	sadd.s32 s21, s5  }
0x9f: {  	[timem:s9], [sflag:s22] =	dma.local [hbm:s7], s20  }
0xa0: {  	_ =	swait.ge [sflag:s22], s20  }
0xa1: {  	s6 =	ssub.s32 $0x0, s20;
	[sflag:s22] =	ssyncset.done $0x0  }
0xa2: {  	[sflag:s22] =	ssyncadd.s32 s6;
	_ =	sdelay $0x1  }
0xa3: {  	s23 =	simm.s32 $0x1B8B  }
0xa4: {  	_ =	swait.ge [sflag:s23], $0x1  }
0xa5: {  	[sflag:s23] =	ssyncset.done $0x0  }
0xa6: {  	s25 =	simm.s32 $0x1B8E;
	s24 =	sld [smem:$0x3FFE];
	[sflag:s23] =	ssyncadd.s32 $0xFFFFFFFF  }
0xa7: {  	s26 =	simm.s32 $execute0_lowered;
	[smem:$0x3FD2] =	sst s25  }
0xa8: {  	s7 =	sshll.u32 s26, $0x1;
	_ =	strace $0x80000046;
	[dreg:$0x1] =	wrdreg $0xFFFFFFFF  }
0xa9: {  	s28 =	simm.s32 $_size_execute0_lowered;
	s5 =	sadd.s32 s5, s7;
	[dreg:$0x0] =	wrdreg $0x0  }
0xaa: {  	s7 =	sshll.u32 s28, $0x1;
	[dreg:$0x2] =	wrdreg s5  }
0xab: {  	[dreg:$0x3] =	wrdreg s7  }
0xac: {  	[dreg:$0x4] =	wrdreg $0xC0  }
0xad: {  	_ =	task [dreg:s9], $0x5FFFF  }
0xae: {  	[dreg:$0x1] =	wrdreg $0xFFFFFFFF  }
0xaf: {  	[dreg:$0x0] =	wrdreg $0x60  }
0xb0: {  	[dreg:$0x2] =	wrdreg s2  }
0xb1: {  	[dreg:$0x3] =	wrdreg s18  }
0xb2: {  	[dreg:$0x4] =	wrdreg s24  }
0xb3: {  	[dreg:$0x5] =	wrdreg s4  }
0xb4: {  	[dreg:$0x6] =	wrdreg $0x9  }
0xb5: {  	_ =	task.clear_ibuf [dreg:s9], $0x7FFFF;
	_ =	strace $0x90000046  }
0xb6: {  	s29 =	simm.s32 $0x9;
	_ =	strace $0x80000048  }
0xb7: {  	_ =	swait.ge [sflag:s29], $0x1  }
0xb8: {  	[sflag:s29] =	ssyncadd.s32 $0xFFFFFFFF  }
0xb9: {  	_ =	strace $0x90000048  }
0xba: {  	_ =	sfence  }
0xbb: {  	s30 =	sld [smem:$0x0];
	_ =	sdelay $0x2  }
0xbc: {  	s31 =	sshll.u32 s1, $0xD;
	s1 =	sshrl.u32 s1, $0x2  }
0xbd: {  	s3 =	sand.u32 $0x4000, s31;
	s1 =	sadd.s32 s1, s30  }
0xbe: {  	s0 =	sor.u32 s3, s0;
	s1 =	sshll.u32 s1, $0x11  }
0xbf: {  	s0 =	sor.u32 s1, s0  }
0xc0: {  	s0 =	sadd.s32 $0x8F2B, s0  }
0xc1: {  	[sflag:s0] =	ssyncadd.remote.s32 $0x1  }
0xc2: {  	_ =	sfence.sel $0xFFFF  }
0xc3: {  	[dreg:$0x0] =	wrdreg $0xFFFFFFFF;
	(pc) =	sbr.abs _section_cstart, $3  }
0xc4: {  	[dreg:$0x1] =	wrdreg $0xFFFFFFFF  }
0xc5: {  	_ =	task.clear_ibuf [dreg:s9], $0x2FFFF;
	_ =	strace $0x9FFFFFFF  }
0xc6: {  	(tm) =	ssettm $0x7FFFFFFF  }
0xc7: {  	_ =	shalt  }
tec
execute0_lowered:
.L_overlay_start_1:
0x0: {  	(tag) =	ssettag $0x1  }
0x1: {  	s0 =	rddreg [dreg:$0x0]  }
0x2: {  	s1 =	rddreg [dreg:$0x1]  }
0x3: {  	s2 =	rddreg [dreg:$0x2]  }
0x4: {  	s3 =	rddreg [dreg:$0x3];
	s4 =	srdreg.scid;
	s5 =	simm.s32 $0x0  }
0x5: {  	s6 =	stileid.u32;
	s12 =	simm.s32 $0xC00;
	s18 =	simm.s32 $0x3  }
0x6: {  	s19 =	simm.s32 $0x5;
	s20 =	simm.s32 $0x2;
	s28 =	simm.s32 $0x7000  }
0x7: {  	s29 =	simm.s32 $0x4;
	s30 =	simm.s32 $0x6;
	s4 =	sand.u32 $0x1, s4  }
0x8: {  	[smem:$0x7FF] =	sst s5;
	s6 =	sshll.u32 s6, $0x1;
	s2 =	sadd.s32 $0x400, s2  }
0x9: {  	s5 =	simm.s32 $0x62;
	s24 =	ssub.s32 $0x2, s4;
	_ =	strace $0x80000047  }
0xa: {  	s4 =	sor.u32 s4, s6;
	[dreg:$0x5] =	wrdreg s2;
	s7 =	sshrl.u32 s24, $0x1  }
.Ltmp0:
0xb: {  	s6 =	sshll.u32 s4, $0x8;
	p0 =	slt.u32 s4, $0x15;
	(pc) =	sbr.rel .LBB2_1-.Ltmp0, $4  }
0xc: {  	s26 =	sshll.u32 s4, $0xA;
	s25 =	ssub.s32 s24, s7;
	s6 =	sadd.s32 s0, s6  }
0xd: {  	s5 =	simm.s32 @!p0 $0x61;
	s8 =	sadd.s32 s3, s26;
	s0 =	sadd.s32 $0x2000, s6  }
0xe: {  	s26 =	simm.s32 $0x186A000;
	s31 =	smax.u32 s25, $0x1;
	[dreg:$0x6] =	wrdreg s0  }
0xf: {  	s3 =	simm.s32 $0x0;
	s25 =	simm.s32 $0x2000;
	[dreg:$0x7] =	wrdreg s31  }
.LBB2_19:
0x10: {  	s0 =	simm.s32 $0x7  }
0x11: {  	_ =	swait.ge [sflag:s0], $0x4000  }
0x12: {  	[sflag:s0] =	ssyncset.done $0x0  }
0x13: {  	s2 =	simm.s32 $0x8;
	[sflag:s0] =	ssyncadd.s32 $0xFFFFC000  }
0x14: {  	_ =	swait.ge [sflag:s2], $0x4000  }
0x15: {  	s3 =	rddreg [dreg:$0x8]  }
0x16: {  	s31 =	rddreg [dreg:$0x7];
	s3 =	sadd.s32 $0x1, s3  }
0x17: {  	p0 =	sne.s32 s3, s31  }
.Ltmp1:
0x18: {  	_ = 	snop;
	(pc) =	sbr.rel @!p0 .LBB2_20-.Ltmp1, $3  }
0x19: {  	_ =	sdelay $0x1  }
0x1a: {  	[sflag:s2] =	ssyncset.done $0x0  }
0x1b: {  	[sflag:s2] =	ssyncadd.s32 $0xFFFFC000  }
.LBB2_1:
0x1c: {  	[dreg:$0x8] =	wrdreg s3;
	s0 =	simm.s32 $0x0  }
0x1d: {  	s2 =	rddreg [dreg:$0x5];
	s23 =	simm.s32 $0xF000;
	s24 =	simm.s32 $0x9  }
0x1e: {  	[tilespmem:s23], [sflag:$0x9] =	stream.linear.gather [hbm4b:s2+s0], $0xA00, $0x38;
	[tilespmem:$0xFC00] =	vst v63  }
0x1f: {  	_ =	swait.ge [sflag:s24], $0xA00  }
0x20: {  	[sflag:s24] =	ssyncset.done $0x0  }
0x21: {  	[sflag:s24] =	ssyncadd.s32 $0xFFFFF600  }
0x22: {  	v0 =	vld [tilespmem:$0xF000]  }
0x23: {  	v1 =	vld [tilespmem:$0xF080]  }
0x24: {  	v2 =	vld [tilespmem:$0xF100]  }
0x25: {  	v3 =	vld [tilespmem:$0xF180]  }
0x26: {  	v4 =	vld [tilespmem:$0xF200]  }
0x27: {  	v5 =	vld [tilespmem:$0xF280]  }
0x28: {  	v6 =	vld [tilespmem:$0xF300]  }
0x29: {  	v7 =	vld [tilespmem:$0xF380]  }
0x2a: {  	v8 =	vld [tilespmem:$0xF400]  }
0x2b: {  	v9 =	vld [tilespmem:$0xF480]  }
0x2c: {  	v10 =	vld [tilespmem:$0xF500]  }
0x2d: {  	v11 =	vld [tilespmem:$0xF580]  }
0x2e: {  	v12 =	vld [tilespmem:$0xF600]  }
0x2f: {  	v13 =	vld [tilespmem:$0xF680]  }
0x30: {  	v14 =	vld [tilespmem:$0xF700]  }
0x31: {  	v15 =	vld [tilespmem:$0xF780]  }
0x32: {  	v16 =	vld [tilespmem:$0xF800]  }
0x33: {  	v17 =	vld [tilespmem:$0xF880]  }
0x34: {  	v18 =	vld [tilespmem:$0xF900]  }
0x35: {  	v19 =	vld [tilespmem:$0xF980];
	[tilespmem:s0], [sflag:$0x9] =	stream.linear.gather [hbm4b:s6+s0], $0x800, $0x38  }
0x36: {  	_ =	swait.ge [sflag:s24], $0x800  }
0x37: {  	s31 =	sand.u32 $0x60, s0;
	s4 =	sand.u32 $0x700, s0;
	[sflag:s24] =	ssyncset.done $0x0  }
0x38: {  	s2 =	sor.u32 s31, s4;
	[sflag:s24] =	ssyncadd.s32 $0xFFFFF800  }
0x39: {  	v20 =	vld [tilespmem:s2+$0x0];
	_ =	sdelay $0x1  }
0x3a: {  	v21 =	vld [tilespmem:s2+$0x80];
	_ =	sdelay $0x2  }
0x3b: {  	v20 =	vmul.u32 $0x3, v20  }
0x3c: {  	s2 =	simm.s32 $0x1410  }
0x3d: {  	v21 =	vmul.u32 $0x3, v21;
	[tilespmem:s2+$0xFFFFFBF0] =	vst v20;
	v22 =	vadd.s32 $0x2, v20  }
0x3e: {  	v20 =	vadd.s32 $0x1, v20;
	[tilespmem:s2+$0x3F0] =	vst v22  }
0x3f: {  	s3 =	simm.s32 $0x2C10;
	v22 =	vadd.s32 $0x2, v21;
	[tilespmem:s2+$0xFFFFFFF0] =	vst v20  }
0x40: {  	s7 =	simm.s32 $0x10;
	[tilespmem:s3+$0x3F0] =	vst v22  }
0x41: {  	s7 =	sand.u32 $0x70, s7;
	v20 =	vadd.s32 $0x1, v21;
	[tilespmem:s3+$0xFFFFFBF0] =	vst v21  }
0x42: {  	s9 =	sor.u32 s7, s4;
	[tilespmem:s3+$0xFFFFFFF0] =	vst v20  }
0x43: {  	v21 =	vld [tilespmem:s9+$0x0];
	_ =	sdelay $0x2  }
0x44: {  	v20 =	vld [tilespmem:s9+$0x80]  }
0x45: {  	s10 =	simm.s32 $0x0;
	s11 =	simm.s32 $0x0  }
0x46: {  	s4 =	simm.s32 $0x0;
	s7 =	simm.s32 $0x1430;
	s9 =	simm.s32 $0x2C30;
	v21 =	vmul.u32 $0x3, v21  }
.LBB2_2:
0x47: {  	s4 =	sadd.s32 $0x2, s4;
	s10 =	sadd.s32 $0x40, s10;
	s11 =	sadd.s32 $0x20, s11  }
0x48: {  	p0 =	slt.u32 s4, $0x3E;
	[tilespmem:s2+$0xFFFFFC00] =	vst v21;
	v22 =	vadd.s32 $0x1, v21;
	v21 =	vadd.s32 $0x2, v21  }
0x49: {  	v20 =	vmul.u32 $0x3, v20;
	[tilespmem:s2+$0x0] =	vst v22  }
0x4a: {  	[tilespmem:s2+$0x400] =	vst v21;
	s2 =	smov.u32 s7  }
0x4b: {  	[tilespmem:s3+$0xFFFFFC00] =	vst v20;
	v21 =	vadd.s32 $0x1, v20;
	v20 =	vadd.s32 $0x2, v20  }
0x4c: {  	s13 =	sand.u32 $0x60, s11;
	s14 =	sand.u32 $0x700, s10;
	[tilespmem:s3+$0x400] =	vst v20  }
0x4d: {  	s13 =	sor.u32 s13, s14;
	[tilespmem:s3+$0x0] =	vst v21;
	s3 =	smov.u32 s9  }
0x4e: {  	v20 =	vld [tilespmem:s13+$0x0]  }
0x4f: {  	v21 =	vld [tilespmem:s13+$0x80];
	_ =	sdelay $0x3  }
0x50: {  	v20 =	vmul.u32 $0x3, v20  }
0x51: {  	v21 =	vmul.u32 $0x3, v21  }
0x52: {  	[tilespmem:s7+$0xFFFFFBF0] =	vst v20;
	v22 =	vadd.s32 $0x1, v20;
	v20 =	vadd.s32 $0x2, v20  }
0x53: {  	[tilespmem:s7+$0x3F0] =	vst v20;
	v20 =	vadd.s32 $0x2, v21  }
0x54: {  	[tilespmem:s7+$0xFFFFFFF0] =	vst v22  }
0x55: {  	s13 =	sadd.s32 $0x10, s11;
	[tilespmem:s9+$0x3F0] =	vst v20  }
0x56: {  	s13 =	sand.u32 $0x70, s13;
	v20 =	vadd.s32 $0x1, v21;
	[tilespmem:s9+$0xFFFFFBF0] =	vst v21  }
0x57: {  	s13 =	sor.u32 s13, s14;
	[tilespmem:s9+$0xFFFFFFF0] =	vst v20  }
0x58: {  	v21 =	vld [tilespmem:s13+$0x0]  }
.Ltmp2:
0x59: {  	(pc) =	sbr.rel @p0 .LBB2_2-.Ltmp2, $3  }
0x5a: {  	_ = 	snop  }
0x5b: {  	v20 =	vld [tilespmem:s13+$0x80];
	_ =	sdelay $0x1  }
0x5c: {  	s7 =	sadd.s32 $0x20, s7;
	s9 =	sadd.s32 $0x20, s9;
	v21 =	vmul.u32 $0x3, v21  }
0x5d: {  	_ = 	snop  }
0x5e: {  	[tilespmem:s2+$0xFFFFFC00] =	vst v21;
	v22 =	vadd.s32 $0x1, v21  }
0x5f: {  	v62 =	vadd.s32 $0x2, v21;
	v20 =	vmul.u32 $0x3, v20;
	[tilespmem:s2+$0x0] =	vst v22  }
0x60: {  	[tilespmem:s2+$0x400] =	vst v62  }
0x61: {  	[tilespmem:s3+$0xFFFFFC00] =	vst v20;
	v63 =	vadd.s32 $0x2, v20  }
0x62: {  	v20 =	vadd.s32 $0x1, v20;
	[tilespmem:s3+$0x400] =	vst v63  }
0x63: {  	s0 =	simm.s32 $0x1000;
	s21 =	simm.s32 $0x4000;
	[tilespmem:s3+$0x0] =	vst v20  }
0x64: {  	[tilespmem:s21], [sflag:$0x3] =	stream.indirect.gather [hbm4b:s1+s12], $0x1, s0, s12, $0xb8;
	[tilespmem:$0xFC00] =	vst v63  }
.Ltmp3:
0x65: {  	_ = 	snop;
	(pc) =	sbr.rel .LBB2_4-.Ltmp3, $4  }
0x66: {  	s22 =	simm.s32 $0x2800;
	s23 =	simm.s32 $0x5800  }
0x67: {  	[tilespmem:s23], [sflag:$0x5] =	stream.indirect.gather [hbm4b:s1+s12], $0x1, s22, s12, $0xb8;
	[tilespmem:$0xFC00] =	vst v63  }
0x68: {  	s4 =	simm.s32 $0x0;
	s24 =	rddreg [dreg:$0x6];
	s31 =	simm.s32 $0x800  }
0x69: {  	[tilespmem:s31], [sflag:$0x2] =	stream.linear.gather [hbm4b:s24+s4], $0x800, $0x38;
	[tilespmem:$0xFC00] =	vst v63  }
.LBB2_18:
0x6a: {  	s4 =	sadd.s32 $0x1, s4  }
0x6b: {  	p0 =	sne.s32 s4, $0x31  }
.Ltmp4:
0x6c: {  	_ = 	snop;
	(pc) =	sbr.rel @!p0 .LBB2_19-.Ltmp4, $1  }
0x6d: {  	_ =	sdelay $0x3  }
.LBB2_4:
0x6e: {  	s7 =	sshllo.u32 s4, $0x1  }
0x6f: {  	_ =	swait.ge [sflag:s18], $0xC00;
	p1 =	sge.u32 s7, s5  }
.Ltmp5:
0x70: {  	[sflag:s18] =	ssyncset.done $0x0;
	(pc) =	sbr.rel @p1 .LBB2_8-.Ltmp5, $4  }
0x71: {  	[sflag:s18] =	ssyncadd.s32 $0xFFFFF400  }
0x72: {  	_ =	swait.ge [sflag:s19], $0xC00  }
0x73: {  	[sflag:s19] =	ssyncset.done $0x0  }
0x74: {  	[sflag:s19] =	ssyncadd.s32 $0xFFFFF400  }
0x75: {  	s2 =	simm.s32 $0x0  }
0x76: {  	_ =	swait.ge [sflag:s20], $0x800;
	s3 =	sand.u32 $0x700, s2  }
0x77: {  	[sflag:s20] =	ssyncset.done $0x0;
	s9 =	sand.u32 $0x60, s2;
	s10 =	sor.u32 $0x800, s3  }
0x78: {  	[sflag:s20] =	ssyncadd.s32 $0xFFFFF800;
	s3 =	sor.u32 s9, s10  }
0x79: {  	v20 =	vld [tilespmem:s3+$0x0];
	_ =	sdelay $0x1  }
0x7a: {  	v21 =	vld [tilespmem:s3+$0x80];
	_ =	sdelay $0x2  }
0x7b: {  	v20 =	vmul.u32 $0x3, v20  }
0x7c: {  	s3 =	simm.s32 $0x2010  }
0x7d: {  	v21 =	vmul.u32 $0x3, v21;
	[tilespmem:s3+$0xFFFFFBF0] =	vst v20;
	v22 =	vadd.s32 $0x1, v20  }
0x7e: {  	v20 =	vadd.s32 $0x2, v20;
	[tilespmem:s3+$0xFFFFFFF0] =	vst v22  }
0x7f: {  	s9 =	simm.s32 $0x3810;
	v22 =	vadd.s32 $0x2, v21;
	[tilespmem:s3+$0x3F0] =	vst v20  }
0x80: {  	s11 =	simm.s32 $0x10;
	[tilespmem:s9+$0x3F0] =	vst v22  }
0x81: {  	s11 =	sand.u32 $0x70, s11;
	v20 =	vadd.s32 $0x1, v21;
	[tilespmem:s9+$0xFFFFFBF0] =	vst v21  }
0x82: {  	s11 =	sor.u32 s11, s10;
	[tilespmem:s9+$0xFFFFFFF0] =	vst v20  }
0x83: {  	v21 =	vld [tilespmem:s11+$0x0];
	_ =	sdelay $0x2  }
0x84: {  	v20 =	vld [tilespmem:s11+$0x80]  }
0x85: {  	s13 =	simm.s32 $0x3830  }
0x86: {  	s14 =	simm.s32 $0x0;
	s10 =	simm.s32 $0x0;
	s11 =	simm.s32 $0x2030;
	v21 =	vmul.u32 $0x3, v21  }
.LBB2_6:
0x87: {  	s10 =	sadd.s32 $0x2, s10;
	s2 =	sadd.s32 $0x40, s2;
	s14 =	sadd.s32 $0x20, s14  }
0x88: {  	p0 =	slt.u32 s10, $0x3E;
	[tilespmem:s3+$0xFFFFFC00] =	vst v21;
	v22 =	vadd.s32 $0x1, v21;
	v21 =	vadd.s32 $0x2, v21  }
0x89: {  	v20 =	vmul.u32 $0x3, v20;
	[tilespmem:s3+$0x0] =	vst v22  }
0x8a: {  	[tilespmem:s3+$0x400] =	vst v21;
	s3 =	smov.u32 s11  }
0x8b: {  	s15 =	sand.u32 $0x700, s2;
	[tilespmem:s9+$0xFFFFFC00] =	vst v20;
	v21 =	vadd.s32 $0x1, v20;
	v20 =	vadd.s32 $0x2, v20  }
0x8c: {  	s16 =	sand.u32 $0x60, s14;
	s15 =	sor.u32 $0x800, s15;
	[tilespmem:s9+$0x400] =	vst v20  }
0x8d: {  	s16 =	sor.u32 s16, s15;
	[tilespmem:s9+$0x0] =	vst v21;
	s9 =	smov.u32 s13  }
0x8e: {  	v20 =	vld [tilespmem:s16+$0x0]  }
0x8f: {  	v21 =	vld [tilespmem:s16+$0x80];
	_ =	sdelay $0x3  }
0x90: {  	v20 =	vmul.u32 $0x3, v20  }
0x91: {  	v21 =	vmul.u32 $0x3, v21  }
0x92: {  	[tilespmem:s11+$0xFFFFFBF0] =	vst v20;
	v22 =	vadd.s32 $0x1, v20;
	v20 =	vadd.s32 $0x2, v20  }
0x93: {  	[tilespmem:s11+$0xFFFFFFF0] =	vst v22;
	v22 =	vadd.s32 $0x2, v21  }
0x94: {  	[tilespmem:s11+$0x3F0] =	vst v20  }
0x95: {  	s16 =	sadd.s32 $0x10, s14;
	[tilespmem:s13+$0x3F0] =	vst v22  }
0x96: {  	s16 =	sand.u32 $0x70, s16;
	v20 =	vadd.s32 $0x1, v21;
	[tilespmem:s13+$0xFFFFFBF0] =	vst v21  }
0x97: {  	s15 =	sor.u32 s16, s15;
	[tilespmem:s13+$0xFFFFFFF0] =	vst v20  }
0x98: {  	v21 =	vld [tilespmem:s15+$0x0]  }
.Ltmp6:
0x99: {  	(pc) =	sbr.rel @p0 .LBB2_6-.Ltmp6, $3  }
0x9a: {  	_ = 	snop  }
0x9b: {  	v20 =	vld [tilespmem:s15+$0x80];
	_ =	sdelay $0x1  }
0x9c: {  	s11 =	sadd.s32 $0x20, s11;
	s13 =	sadd.s32 $0x20, s13;
	v21 =	vmul.u32 $0x3, v21  }
0x9d: {  	_ = 	snop  }
0x9e: {  	[tilespmem:s3+$0xFFFFFC00] =	vst v21;
	v22 =	vadd.s32 $0x1, v21  }
0x9f: {  	v62 =	vadd.s32 $0x2, v21;
	v20 =	vmul.u32 $0x3, v20;
	[tilespmem:s3+$0x0] =	vst v22  }
0xa0: {  	[tilespmem:s3+$0x400] =	vst v62  }
0xa1: {  	[tilespmem:s9+$0xFFFFFC00] =	vst v20;
	v63 =	vadd.s32 $0x2, v20  }
0xa2: {  	v20 =	vadd.s32 $0x1, v20;
	[tilespmem:s9+$0x400] =	vst v63  }
0xa3: {  	s0 =	simm.s32 $0x1C00;
	s2 =	simm.s32 $0x4C00;
	[tilespmem:s9+$0x0] =	vst v20  }
0xa4: {  	[tilespmem:s2], [sflag:$0x4] =	stream.indirect.gather [hbm4b:s1+s12], $0x1, s0, s12, $0xb8;
	[tilespmem:$0xFC00] =	vst v63  }
0xa5: {  	s24 =	simm.s32 $0x3400;
	s31 =	simm.s32 $0x6400  }
0xa6: {  	[tilespmem:s31], [sflag:$0x6] =	stream.indirect.gather [hbm4b:s1+s12], $0x1, s24, s12, $0xb8;
	[tilespmem:$0xFC00] =	vst v63  }
.LBB2_8:
0xa7: {  	s9 =	sshll.u32 s4, $0x1  }
0xa8: {  	s2 =	sadd.s32 $0x2, s9  }
0xa9: {  	p2 =	sge.u32 s2, s5  }
0xaa: {  	s2 =	sshll.u32 @!p2 s2, $0xD  }
0xab: {  	p0 =	seq.s32 s4, $0x0;
	s3 =	simm.s32 @!p2 $0x0;
	s2 =	sadd.s32 @!p2 s2, s6  }
0xac: {  	[tilespmem:s3], [sflag:$0x1] =	stream.linear.gather @!p2 [hbm4b:s2+s3], $0x800, $0x38;
	[tilespmem:$0xFC00] =	vst v63  }
0xad: {  	s2 =	simm.s32 @!p0 $0x7  }
0xae: {  	_ =	swait.ge @!p0 [sflag:s2], $0x4000  }
0xaf: {  	[sflag:s2] =	ssyncset.done @!p0 $0x0  }
0xb0: {  	s10 =	simm.s32 $0x5C10;
	[sflag:s2] =	ssyncadd.s32 @!p0 $0xFFFFC000  }
0xb1: {  	s0 =	simm.s32 $0x4410;
	v20 =	vld [tilespmem:s10+$0xFFFFFFF0]  }
0xb2: {  	v21 =	vld [tilespmem:s0+$0xFFFFFFF0]  }
0xb3: {  	v22 =	vld [tilespmem:s10+$0xFFFFFBF0]  }
0xb4: {  	v23 =	vld [tilespmem:s0+$0xFFFFFBF0]  }
0xb5: {  	v24 =	vld [tilespmem:s10+$0x3F0]  }
0xb6: {  	v25 =	vld [tilespmem:s0+$0x3F0];
	_ =	sdelay $0x2  }
0xb7: {  	v20 =	vsub.f32 v21, v20;
	v21 =	vsub.f32 v23, v22;
	_ =	sdelay $0x1  }
0xb8: {  	v22 =	vsub.f32 v25, v24;
	v21 =	vmul.f32 v21, v21;
	v20 =	vmul.f32 v20, v20;
	_ =	sdelay $0x1  }
0xb9: {  	v20 =	vadd.f32 v20, v21;
	v21 =	vmul.f32 v22, v22;
	_ =	sdelay $0x1  }
0xba: {  	v20 =	vadd.f32 v21, v20;
	_ =	sdelay $0x1  }
0xbb: {  	v20 =	vmax.f32 v20, $1.000000000e-30  }
0xbc: {  	v21 =	vshrl.u32 v20, $0x1;
	v22 =	vmul.f32 $5.000000000e-01, v20  }
0xbd: {  	v21 =	vsub.s32 $0x5F3759DF, v21  }
0xbe: {  	v23 =	vmul.f32 v21, v22;
	_ =	sdelay $0x1  }
0xbf: {  	v23 =	vmul.f32 v21, v23;
	_ =	sdelay $0x1  }
0xc0: {  	v23 =	vsub.f32 $1.500000000e+00, v23;
	_ =	sdelay $0x1  }
0xc1: {  	v21 =	vmul.f32 v21, v23;
	_ =	sdelay $0x1  }
0xc2: {  	v23 =	vmul.f32 v21, v22;
	_ =	sdelay $0x1  }
0xc3: {  	v23 =	vmul.f32 v23, v21;
	_ =	sdelay $0x1  }
0xc4: {  	v23 =	vsub.f32 $1.500000000e+00, v23;
	_ =	sdelay $0x1  }
0xc5: {  	v21 =	vmul.f32 v23, v21;
	_ =	sdelay $0x1  }
0xc6: {  	v22 =	vmul.f32 v21, v22;
	_ =	sdelay $0x1  }
0xc7: {  	v22 =	vmul.f32 v22, v21;
	_ =	sdelay $0x1  }
0xc8: {  	v22 =	vsub.f32 $1.500000000e+00, v22;
	_ =	sdelay $0x1  }
0xc9: {  	v21 =	vmul.f32 v22, v21;
	_ =	sdelay $0x1  }
0xca: {  	v20 =	vmul.f32 v21, v20;
	_ =	sdelay $0x1  }
0xcb: {  	v21 =	vsub.f32 v20, v1  }
0xcc: {  	v22 =	vsub.f32 v20, v6;
	v23 =	vsub.f32 v20, v2  }
0xcd: {  	v24 =	vsub.f32 v20, v5;
	v25 =	vsub.f32 v20, v3  }
0xce: {  	v26 =	vsub.f32 v20, v0;
	v27 =	vsub.f32 v20, v4;
	v21 =	vmul.f32 v21, v21  }
0xcf: {  	v28 =	vsub.f32 v20, v7;
	v22 =	vmul.f32 v22, v22;
	v23 =	vmul.f32 v23, v23  }
0xd0: {  	v29 =	vsub.f32 v20, v8;
	v24 =	vmul.f32 v24, v24;
	v25 =	vmul.f32 v25, v25  }
0xd1: {  	v20 =	vsub.f32 v20, v9;
	v26 =	vmul.f32 v26, v26;
	v27 =	vmul.f32 v27, v27  }
0xd2: {  	v28 =	vmul.f32 v28, v28;
	v29 =	vmul.f32 v29, v29  }
0xd3: {  	v20 =	vmul.f32 v20, v20;
	v23 =	vmul.f32 v23, v12  }
0xd4: {  	v21 =	vmul.f32 v21, v11;
	v24 =	vmul.f32 v24, v15  }
0xd5: {  	v22 =	vmul.f32 v22, v16;
	v23 =	vmul.f32 $1.442695020e+00, v23  }
0xd6: {  	v21 =	vmul.f32 $1.442695020e+00, v21;
	v24 =	vmul.f32 $1.442695020e+00, v24  }
0xd7: {  	(erf) = vpow2.f32 v23;
	v23 =	vmul.f32 v25, v13  }
0xd8: {  	v22 =	vmul.f32 $1.442695020e+00, v22;
	v25 =	vmul.f32 v26, v10  }
0xd9: {  	v26 =	vmul.f32 v28, v17;
	v23 =	vmul.f32 $1.442695020e+00, v23  }
0xda: {  	(erf) = vpow2.f32 v24;
	v24 =	vmul.f32 $1.442695020e+00, v25  }
0xdb: {  	v25 =	vmul.f32 v27, v14;
	(erf) = vpow2.f32 v23  }
0xdc: {  	(erf) = vpow2.f32 v21;
	v21 =	vmul.f32 v29, v18  }
0xdd: {  	v23 =	vmul.f32 $1.442695020e+00, v26;
	(erf) = vpow2.f32 v24  }
0xde: {  	v21 =	vmul.f32 $1.442695020e+00, v21;
	(erf) = vpow2.f32 v22  }
0xdf: {  	v25 =	vmul.f32 $1.442695020e+00, v25;
	(erf) = vpow2.f32 v23  }
0xe0: {  	v20 =	vmul.f32 v20, v19;
	(erf) = vpow2.f32 v21  }
0xe1: {  	(erf) = vpow2.f32 v25  }
0xe2: {  	s2 =	simm.s32 $0x0;
	v20 =	vmul.f32 $1.442695020e+00, v20;
	v21 =	vpop (erf)  }
0xe3: {  	s11 =	sand.u32 $0x1C00, s2;
	v22 =	vpop (erf)  }
0xe4: {  	s13 =	sand.u32 $0x60, s2;
	s16 =	sadd.s32 $0x7000, s11;
	v23 =	vpop (erf)  }
0xe5: {  	s14 =	sor.u32 s13, s16;
	(erf) = vpow2.f32 v20;
	v24 =	vpop (erf)  }
0xe6: {  	[tilespmem:s14+$0x100] =	vst v21;
	v20 =	vpop (erf)  }
0xe7: {  	[tilespmem:s14+$0x280] =	vst v22;
	v21 =	vpop (erf)  }
0xe8: {  	s15 =	sand.u32 $0x3, s2;
	[tilespmem:s14+$0x180] =	vst v23;
	v22 =	vpop (erf)  }
0xe9: {  	s15 =	sshll.u32 s15, $0x5;
	[tilespmem:s14+$0x0] =	vst v20;
	v20 =	vpop (erf)  }
0xea: {  	s22 =	sadd.s32 $0x0, s15;
	[tilespmem:s14+$0x80] =	vst v24;
	v23 =	vpop (erf)  }
0xeb: {  	s17 =	sor.u32 s2, s2;
	s23 =	sor.u32 $0x300, s22;
	[tilespmem:s14+$0x200] =	vst v23  }
0xec: {  	s24 =	sor.u32 $0x380, s17;
	s15 =	sadd.s32 $0x9000, s11;
	[tilespmem:s23+$0x7000] =	vst v21  }
0xed: {  	s17 =	sadd.s32 $0x9080, s11;
	s21 =	sor.u32 s13, s15;
	[tilespmem:s24+$0x7000] =	vst v22  }
0xee: {  	s11 =	sor.u32 s13, s17;
	[tilespmem:s21+$0x0] =	vst v20;
	v20 =	vpop (erf)  }
0xef: {  	s31 =	sand.u32 $0x380, s2;
	s21 =	sor.u32 $0x10, s13;
	[tilespmem:s11+$0x0] =	vst v20  }
0xf0: {  	s11 =	sor.u32 s31, s21;
	v20 =	vld [tilespmem:s10+$0x0]  }
0xf1: {  	v21 =	vld [tilespmem:s11+$0x5800]  }
0xf2: {  	v22 =	vld [tilespmem:s11+$0x4000]  }
0xf3: {  	v23 =	vld [tilespmem:s0+$0x0]  }
0xf4: {  	v24 =	vld [tilespmem:s10+$0x400]  }
0xf5: {  	v25 =	vld [tilespmem:s0+$0x400];
	_ =	sdelay $0x2  }
0xf6: {  	v21 =	vsub.f32 v22, v21;
	v20 =	vsub.f32 v23, v20;
	_ =	sdelay $0x1  }
0xf7: {  	v22 =	vsub.f32 v25, v24;
	v21 =	vmul.f32 v21, v21;
	v20 =	vmul.f32 v20, v20;
	_ =	sdelay $0x1  }
0xf8: {  	v20 =	vadd.f32 v20, v21;
	v21 =	vmul.f32 v22, v22;
	_ =	sdelay $0x1  }
0xf9: {  	v20 =	vadd.f32 v21, v20;
	_ =	sdelay $0x1  }
0xfa: {  	v20 =	vmax.f32 v20, $1.000000000e-30  }
0xfb: {  	v21 =	vshrl.u32 v20, $0x1;
	v22 =	vmul.f32 $5.000000000e-01, v20  }
0xfc: {  	v21 =	vsub.s32 $0x5F3759DF, v21  }
0xfd: {  	v23 =	vmul.f32 v21, v22;
	_ =	sdelay $0x1  }
0xfe: {  	v23 =	vmul.f32 v21, v23;
	_ =	sdelay $0x1  }
0xff: {  	v23 =	vsub.f32 $1.500000000e+00, v23;
	_ =	sdelay $0x1  }
0x100: {  	v21 =	vmul.f32 v21, v23;
	_ =	sdelay $0x1  }
0x101: {  	v23 =	vmul.f32 v21, v22;
	_ =	sdelay $0x1  }
0x102: {  	v23 =	vmul.f32 v23, v21;
	_ =	sdelay $0x1  }
0x103: {  	v23 =	vsub.f32 $1.500000000e+00, v23;
	_ =	sdelay $0x1  }
0x104: {  	v21 =	vmul.f32 v23, v21;
	_ =	sdelay $0x1  }
0x105: {  	v22 =	vmul.f32 v21, v22;
	_ =	sdelay $0x1  }
0x106: {  	v22 =	vmul.f32 v22, v21;
	_ =	sdelay $0x1  }
0x107: {  	v22 =	vsub.f32 $1.500000000e+00, v22;
	_ =	sdelay $0x1  }
0x108: {  	v21 =	vmul.f32 v22, v21;
	_ =	sdelay $0x1  }
0x109: {  	v21 =	vmul.f32 v21, v20;
	_ =	sdelay $0x1  }
0x10a: {  	v20 =	vsub.f32 v21, v0;
	v24 =	vsub.f32 v21, v1  }
0x10b: {  	v22 =	vsub.f32 v21, v2;
	v23 =	vsub.f32 v21, v3  }
0x10c: {  	v26 =	vsub.f32 v21, v4;
	v27 =	vsub.f32 v21, v6;
	v25 =	vmul.f32 v20, v20  }
0x10d: {  	v20 =	vsub.f32 v21, v5;
	v28 =	vmul.f32 v22, v22;
	v29 =	vmul.f32 v23, v23  }
0x10e: {  	s3 =	simm.s32 $0x20;
	s22 =	sadd.s32 $0x10, s22;
	s14 =	simm.s32 $0x0;
	v23 =	vmul.f32 v26, v26;
	v22 =	vmul.f32 v25, v10;
	v25 =	vsub.f32 v21, v7  }
0x10f: {  	s13 =	simm.s32 $0x4430;
	s10 =	simm.s32 $0x0;
	s11 =	simm.s32 $0x5C30;
	v26 =	vmul.f32 v28, v12;
	v28 =	vmul.f32 v29, v13;
	v29 =	vsub.f32 v21, v8  }
.LBB2_9:
0x110: {  	s10 =	sadd.s32 $0x2, s10;
	v24 =	vmul.f32 v24, v24;
	v27 =	vmul.f32 v27, v27;
	v21 =	vsub.f32 v21, v9;
	s2 =	sadd.s32 $0x100, s2;
	s14 =	sadd.s32 $0x1, s14  }
0x111: {  	p3 =	slt.u32 s10, $0x3E;
	v28 =	vmul.f32 $1.442695020e+00, v28;
	v29 =	vmul.f32 v29, v29  }
0x112: {  	v24 =	vmul.f32 v24, v11;
	v21 =	vmul.f32 v21, v21  }
0x113: {  	v26 =	vmul.f32 $1.442695020e+00, v26;
	(erf) = vpow2.f32 v28  }
0x114: {  	v25 =	vmul.f32 v25, v25;
	v28 =	vmul.f32 v29, v18  }
0x115: {  	v22 =	vmul.f32 $1.442695020e+00, v22;
	v23 =	vmul.f32 v23, v14  }
0x116: {  	v27 =	vmul.f32 v27, v16;
	(erf) = vpow2.f32 v26  }
0x117: {  	v23 =	vmul.f32 $1.442695020e+00, v23;
	v24 =	vmul.f32 $1.442695020e+00, v24  }
0x118: {  	v20 =	vmul.f32 v20, v20;
	(erf) = vpow2.f32 v22  }
0x119: {  	v22 =	vmul.f32 $1.442695020e+00, v27;
	(erf) = vpow2.f32 v23  }
0x11a: {  	v20 =	vmul.f32 v20, v15;
	(erf) = vpow2.f32 v24  }
0x11b: {  	v23 =	vmul.f32 v25, v17;
	(erf) = vpow2.f32 v22  }
0x11c: {  	s16 =	sor.u32 s21, s16;
	v20 =	vmul.f32 $1.442695020e+00, v20;
	v22 =	vmul.f32 $1.442695020e+00, v28;
	v24 =	vpop (erf)  }
0x11d: {  	v23 =	vmul.f32 $1.442695020e+00, v23;
	[tilespmem:s16+$0x180] =	vst v24;
	v24 =	vmul.f32 v21, v19  }
0x11e: {  	(erf) = vpow2.f32 v20  }
0x11f: {  	v24 =	vmul.f32 $1.442695020e+00, v24;
	v21 =	vpop (erf);
	(erf) = vpow2.f32 v22  }
0x120: {  	[tilespmem:s16+$0x100] =	vst v21;
	(erf) = vpow2.f32 v23  }
0x121: {  	v21 =	vpop (erf);
	(erf) = vpow2.f32 v24  }
0x122: {  	[tilespmem:s16+$0x0] =	vst v21;
	v20 =	vpop (erf)  }
0x123: {  	[tilespmem:s16+$0x200] =	vst v20;
	v20 =	vpop (erf)  }
0x124: {  	[tilespmem:s16+$0x80] =	vst v20;
	v20 =	vpop (erf);
	_ =	sdelay $0x2  }
0x125: {  	s23 =	sor.u32 $0x300, s22;
	v21 =	vpop (erf)  }
0x126: {  	[tilespmem:s16+$0x280] =	vst v21;
	s16 =	sor.u32 $0x380, s22;
	v21 =	vpop (erf)  }
0x127: {  	s15 =	sor.u32 s21, s15;
	[tilespmem:s23+$0x7000] =	vst v20;
	v20 =	vpop (erf)  }
0x128: {  	[tilespmem:s16+$0x7000] =	vst v20;
	s16 =	sor.u32 s21, s17;
	v20 =	vpop (erf)  }
0x129: {  	[tilespmem:s15+$0x0] =	vst v21  }
0x12a: {  	[tilespmem:s16+$0x0] =	vst v20  }
0x12b: {  	v20 =	vld [tilespmem:s11+$0xFFFFFFF0]  }
0x12c: {  	v21 =	vld [tilespmem:s13+$0xFFFFFFF0]  }
0x12d: {  	v22 =	vld [tilespmem:s11+$0xFFFFFBF0]  }
0x12e: {  	v23 =	vld [tilespmem:s13+$0xFFFFFBF0]  }
0x12f: {  	v24 =	vld [tilespmem:s11+$0x3F0]  }
0x130: {  	v25 =	vld [tilespmem:s13+$0x3F0]  }
0x131: {  	v20 =	vsub.f32 v21, v20;
	_ =	sdelay $0x1  }
0x132: {  	v21 =	vsub.f32 v23, v22;
	_ =	sdelay $0x1  }
0x133: {  	v20 =	vmul.f32 v20, v20;
	v22 =	vsub.f32 v25, v24;
	v21 =	vmul.f32 v21, v21;
	_ =	sdelay $0x1  }
0x134: {  	v20 =	vadd.f32 v20, v21;
	v21 =	vmul.f32 v22, v22;
	_ =	sdelay $0x1  }
0x135: {  	v20 =	vadd.f32 v21, v20;
	_ =	sdelay $0x1  }
0x136: {  	v20 =	vmax.f32 v20, $1.000000000e-30  }
0x137: {  	v21 =	vshrl.u32 v20, $0x1;
	v22 =	vmul.f32 $5.000000000e-01, v20  }
0x138: {  	v21 =	vsub.s32 $0x5F3759DF, v21  }
0x139: {  	v23 =	vmul.f32 v21, v22;
	_ =	sdelay $0x1  }
0x13a: {  	v23 =	vmul.f32 v21, v23;
	_ =	sdelay $0x1  }
0x13b: {  	v23 =	vsub.f32 $1.500000000e+00, v23;
	_ =	sdelay $0x1  }
0x13c: {  	v21 =	vmul.f32 v21, v23;
	_ =	sdelay $0x1  }
0x13d: {  	v23 =	vmul.f32 v21, v22;
	_ =	sdelay $0x1  }
0x13e: {  	v23 =	vmul.f32 v23, v21;
	_ =	sdelay $0x1  }
0x13f: {  	v23 =	vsub.f32 $1.500000000e+00, v23;
	_ =	sdelay $0x1  }
0x140: {  	v21 =	vmul.f32 v23, v21;
	_ =	sdelay $0x1  }
0x141: {  	v22 =	vmul.f32 v21, v22;
	_ =	sdelay $0x1  }
0x142: {  	v22 =	vmul.f32 v22, v21;
	_ =	sdelay $0x1  }
0x143: {  	v22 =	vsub.f32 $1.500000000e+00, v22;
	_ =	sdelay $0x1  }
0x144: {  	v21 =	vmul.f32 v22, v21;
	_ =	sdelay $0x1  }
0x145: {  	v20 =	vmul.f32 v21, v20;
	_ =	sdelay $0x1  }
0x146: {  	v21 =	vsub.f32 v20, v1;
	v22 =	vsub.f32 v20, v6  }
0x147: {  	v23 =	vsub.f32 v20, v2;
	v24 =	vsub.f32 v20, v5  }
0x148: {  	v25 =	vsub.f32 v20, v3;
	v21 =	vmul.f32 v21, v21;
	v22 =	vmul.f32 v22, v22  }
0x149: {  	v26 =	vsub.f32 v20, v0;
	v23 =	vmul.f32 v23, v23;
	v24 =	vmul.f32 v24, v24  }
0x14a: {  	v27 =	vsub.f32 v20, v4;
	v25 =	vmul.f32 v25, v25;
	v21 =	vmul.f32 v21, v11  }
0x14b: {  	v28 =	vsub.f32 v20, v7;
	v26 =	vmul.f32 v26, v26;
	v23 =	vmul.f32 v23, v12  }
0x14c: {  	v29 =	vsub.f32 v20, v8;
	v22 =	vmul.f32 v22, v16;
	v21 =	vmul.f32 $1.442695020e+00, v21  }
0x14d: {  	v20 =	vsub.f32 v20, v9;
	v27 =	vmul.f32 v27, v27;
	v23 =	vmul.f32 $1.442695020e+00, v23  }
0x14e: {  	v28 =	vmul.f32 v28, v28;
	v24 =	vmul.f32 v24, v15  }
0x14f: {  	v29 =	vmul.f32 v29, v29;
	(erf) = vpow2.f32 v23  }
0x150: {  	v24 =	vmul.f32 $1.442695020e+00, v24;
	v23 =	vmul.f32 v25, v13  }
0x151: {  	v25 =	vmul.f32 v26, v10;
	v26 =	vmul.f32 v28, v17  }
0x152: {  	v23 =	vmul.f32 $1.442695020e+00, v23;
	(erf) = vpow2.f32 v24  }
0x153: {  	v24 =	vmul.f32 $1.442695020e+00, v25;
	v25 =	vmul.f32 v27, v14  }
0x154: {  	v22 =	vmul.f32 $1.442695020e+00, v22;
	(erf) = vpow2.f32 v23  }
0x155: {  	v23 =	vmul.f32 $1.442695020e+00, v26;
	(erf) = vpow2.f32 v21  }
0x156: {  	s17 =	sand.u32 $0x1C00, s2;
	v26 =	vmul.f32 v29, v18;
	v21 =	vmul.f32 $1.442695020e+00, v25  }
0x157: {  	s21 =	sand.u32 $0x60, s3;
	s15 =	sadd.s32 $0x9000, s17;
	s16 =	sadd.s32 $0x7000, s17;
	v20 =	vmul.f32 v20, v20;
	(erf) = vpow2.f32 v24  }
0x158: {  	s23 =	sor.u32 s21, s15;
	s22 =	sor.u32 s21, s16;
	v24 =	vmul.f32 $1.442695020e+00, v26;
	v25 =	vpop (erf);
	(erf) = vpow2.f32 v22  }
0x159: {  	v20 =	vmul.f32 v20, v19;
	[tilespmem:s22+$0x100] =	vst v25;
	(erf) = vpow2.f32 v23  }
0x15a: {  	(erf) = vpow2.f32 v24  }
0x15b: {  	v20 =	vmul.f32 $1.442695020e+00, v20;
	(erf) = vpow2.f32 v21;
	v21 =	vpop (erf)  }
0x15c: {  	[tilespmem:s22+$0x280] =	vst v21  }
0x15d: {  	v21 =	vpop (erf)  }
0x15e: {  	v22 =	vpop (erf)  }
0x15f: {  	[tilespmem:s22+$0x80] =	vst v22;
	(erf) = vpow2.f32 v20  }
0x160: {  	v20 =	vpop (erf)  }
0x161: {  	[tilespmem:s22+$0x0] =	vst v20;
	v20 =	vpop (erf)  }
0x162: {  	s24 =	sand.u32 $0x3, s14;
	v22 =	vpop (erf)  }
0x163: {  	s24 =	sshll.u32 s24, $0x5;
	v23 =	vpop (erf)  }
0x164: {  	s24 =	sadd.s32 s24, s2;
	[tilespmem:s22+$0x180] =	vst v21;
	v21 =	vpop (erf)  }
0x165: {  	s31 =	sor.u32 s2, s3;
	s0 =	sor.u32 $0x300, s24;
	[tilespmem:s22+$0x200] =	vst v21;
	s22 =	sadd.s32 $0x10, s24  }
0x166: {  	[tilespmem:s0+$0x7000] =	vst v20;
	s0 =	sor.u32 $0x380, s31  }
0x167: {  	s17 =	sadd.s32 $0x9080, s17;
	[tilespmem:s0+$0x7000] =	vst v22  }
0x168: {  	s0 =	sor.u32 s21, s17;
	[tilespmem:s23+$0x0] =	vst v23;
	v20 =	vpop (erf)  }
0x169: {  	s21 =	sor.u32 $0x10, s21;
	[tilespmem:s0+$0x0] =	vst v20;
	s0 =	sand.u32 $0x380, s3  }
0x16a: {  	s0 =	sor.u32 s0, s21;
	v20 =	vld [tilespmem:s11+$0x0]  }
0x16b: {  	v21 =	vld [tilespmem:s0+$0x5800]  }
0x16c: {  	v22 =	vld [tilespmem:s0+$0x4000]  }
0x16d: {  	v23 =	vld [tilespmem:s13+$0x0]  }
0x16e: {  	v24 =	vld [tilespmem:s11+$0x400]  }
0x16f: {  	v25 =	vld [tilespmem:s13+$0x400];
	_ =	sdelay $0x1  }
0x170: {  	v21 =	vsub.f32 v22, v21  }
0x171: {  	v20 =	vsub.f32 v23, v20;
	_ =	sdelay $0x1  }
0x172: {  	v21 =	vmul.f32 v21, v21;
	v22 =	vsub.f32 v25, v24;
	v20 =	vmul.f32 v20, v20;
	_ =	sdelay $0x1  }
0x173: {  	v20 =	vadd.f32 v20, v21;
	v21 =	vmul.f32 v22, v22;
	_ =	sdelay $0x1  }
0x174: {  	v20 =	vadd.f32 v21, v20;
	_ =	sdelay $0x1  }
0x175: {  	v20 =	vmax.f32 v20, $1.000000000e-30  }
0x176: {  	v21 =	vshrl.u32 v20, $0x1;
	v22 =	vmul.f32 $5.000000000e-01, v20  }
0x177: {  	v21 =	vsub.s32 $0x5F3759DF, v21  }
0x178: {  	v23 =	vmul.f32 v21, v22;
	_ =	sdelay $0x1  }
0x179: {  	v23 =	vmul.f32 v21, v23;
	_ =	sdelay $0x1  }
0x17a: {  	v23 =	vsub.f32 $1.500000000e+00, v23;
	_ =	sdelay $0x1  }
0x17b: {  	v21 =	vmul.f32 v21, v23;
	_ =	sdelay $0x1  }
0x17c: {  	v23 =	vmul.f32 v21, v22;
	_ =	sdelay $0x1  }
0x17d: {  	v23 =	vmul.f32 v23, v21;
	_ =	sdelay $0x1  }
0x17e: {  	v23 =	vsub.f32 $1.500000000e+00, v23;
	_ =	sdelay $0x1  }
0x17f: {  	v21 =	vmul.f32 v23, v21;
	_ =	sdelay $0x1  }
0x180: {  	v22 =	vmul.f32 v21, v22;
	_ =	sdelay $0x1  }
0x181: {  	v22 =	vmul.f32 v22, v21;
	_ =	sdelay $0x1  }
0x182: {  	v22 =	vsub.f32 $1.500000000e+00, v22;
	_ =	sdelay $0x1  }
0x183: {  	v21 =	vmul.f32 v22, v21;
	_ =	sdelay $0x1  }
0x184: {  	v21 =	vmul.f32 v21, v20;
	_ =	sdelay $0x1  }
0x185: {  	v20 =	vsub.f32 v21, v0;
	v24 =	vsub.f32 v21, v1  }
.Ltmp7:
0x186: {  	v22 =	vsub.f32 v21, v2;
	v23 =	vsub.f32 v21, v3;
	(pc) =	sbr.rel @p3 .LBB2_9-.Ltmp7, $4  }
0x187: {  	v26 =	vsub.f32 v21, v4;
	v25 =	vmul.f32 v20, v20;
	v20 =	vsub.f32 v21, v5  }
0x188: {  	v27 =	vsub.f32 v21, v6;
	v28 =	vmul.f32 v22, v22;
	v29 =	vmul.f32 v23, v23  }
0x189: {  	v23 =	vmul.f32 v26, v26;
	v22 =	vmul.f32 v25, v10;
	v25 =	vsub.f32 v21, v7  }
0x18a: {  	s3 =	sadd.s32 $0x20, s3;
	s11 =	sadd.s32 $0x20, s11;
	s13 =	sadd.s32 $0x20, s13;
	v26 =	vmul.f32 v28, v12;
	v28 =	vmul.f32 v29, v13;
	v29 =	vsub.f32 v21, v8  }
0x18b: {  	v24 =	vmul.f32 v24, v24  }
0x18c: {  	v27 =	vmul.f32 v27, v27;
	v25 =	vmul.f32 v25, v25  }
0x18d: {  	v22 =	vmul.f32 $1.442695020e+00, v22;
	v23 =	vmul.f32 v23, v14  }
0x18e: {  	v21 =	vsub.f32 v21, v9;
	v20 =	vmul.f32 v20, v20;
	v28 =	vmul.f32 $1.442695020e+00, v28  }
0x18f: {  	v29 =	vmul.f32 v29, v29;
	v26 =	vmul.f32 $1.442695020e+00, v26  }
0x190: {  	v24 =	vmul.f32 v24, v11;
	v21 =	vmul.f32 v21, v21  }
0x191: {  	v27 =	vmul.f32 v27, v16;
	v23 =	vmul.f32 $1.442695020e+00, v23  }
0x192: {  	v20 =	vmul.f32 v20, v15;
	v56 =	vmul.f32 v25, v17  }
0x193: {  	(erf) = vpow2.f32 v28;
	v54 =	vmul.f32 v29, v18  }
0x194: {  	(erf) = vpow2.f32 v26;
	v24 =	vmul.f32 $1.442695020e+00, v24  }
0x195: {  	v55 =	vmul.f32 $1.442695020e+00, v27;
	(erf) = vpow2.f32 v22  }
0x196: {  	v20 =	vmul.f32 $1.442695020e+00, v20;
	(erf) = vpow2.f32 v23  }
0x197: {  	v21 =	vmul.f32 v21, v19;
	(erf) = vpow2.f32 v24  }
0x198: {  	v57 =	vmul.f32 $1.442695020e+00, v54;
	(erf) = vpow2.f32 v55  }
0x199: {  	v23 =	vmul.f32 $1.442695020e+00, v56;
	(erf) = vpow2.f32 v20  }
0x19a: {  	v20 =	vmul.f32 $1.442695020e+00, v21;
	(erf) = vpow2.f32 v57  }
0x19b: {  	(erf) = vpow2.f32 v23  }
0x19c: {  	v58 =	vpop (erf)  }
0x19d: {  	s0 =	sor.u32 s21, s16;
	(erf) = vpow2.f32 v20;
	v59 =	vpop (erf)  }
0x19e: {  	[tilespmem:s0+$0x180] =	vst v58;
	v20 =	vpop (erf)  }
0x19f: {  	[tilespmem:s0+$0x100] =	vst v59;
	v60 =	vpop (erf)  }
0x1a0: {  	[tilespmem:s0+$0x0] =	vst v20;
	v20 =	vpop (erf)  }
0x1a1: {  	[tilespmem:s0+$0x200] =	vst v60;
	v61 =	vpop (erf)  }
0x1a2: {  	[tilespmem:s0+$0x80] =	vst v20;
	v20 =	vpop (erf)  }
0x1a3: {  	s2 =	sor.u32 $0x300, s22;
	[tilespmem:s0+$0x280] =	vst v20;
	v20 =	vpop (erf)  }
.Ltmp8:
0x1a4: {  	s16 =	sor.u32 $0x380, s22;
	[tilespmem:s2+$0x7000] =	vst v61;
	v62 =	vpop (erf);
	(pc) =	sbr.rel @p1 .LBB2_18-.Ltmp8, $4  }
0x1a5: {  	s22 =	sor.u32 s21, s15;
	[tilespmem:s16+$0x7000] =	vst v62  }
0x1a6: {  	s23 =	sor.u32 s21, s17;
	s24 =	sshll.u32 s4, $0x10;
	v63 =	vpop (erf);
	[tilespmem:s22+$0x0] =	vst v20  }
0x1a7: {  	s31 =	sadd.s32 s24, s8;
	[tilespmem:s23+$0x0] =	vst v63  }
0x1a8: {  	[hbm4b:s31+s25] =	stream.strided.scatter [tilespmem:s28], [sflag:$0x7], $0x4000, s26, s25, $0x38;
	[tilespmem:$0xFC00] =	vst v63  }
0x1a9: {  	_ =	swait.ge [sflag:s29], $0xC00  }
.Ltmp9:
0x1aa: {  	[sflag:s29] =	ssyncset.done $0x0;
	(pc) =	sbr.rel @p2 .LBB2_15-.Ltmp9, $4  }
0x1ab: {  	[sflag:s29] =	ssyncadd.s32 $0xFFFFF400  }
0x1ac: {  	_ =	swait.ge [sflag:s30], $0xC00  }
0x1ad: {  	[sflag:s30] =	ssyncset.done $0x0  }
0x1ae: {  	[sflag:s30] =	ssyncadd.s32 $0xFFFFF400  }
0x1af: {  	s3 =	simm.s32 $0x1  }
0x1b0: {  	s2 =	simm.s32 $0x0;
	_ =	swait.ge [sflag:s3], $0x800  }
0x1b1: {  	s0 =	sand.u32 $0x60, s2;
	s11 =	sand.u32 $0x700, s2;
	[sflag:s3] =	ssyncset.done $0x0  }
0x1b2: {  	s0 =	sor.u32 s0, s11;
	[sflag:s3] =	ssyncadd.s32 $0xFFFFF800  }
0x1b3: {  	v20 =	vld [tilespmem:s0+$0x0];
	_ =	sdelay $0x1  }
0x1b4: {  	v21 =	vld [tilespmem:s0+$0x80];
	_ =	sdelay $0x2  }
0x1b5: {  	v20 =	vmul.u32 $0x3, v20  }
0x1b6: {  	s3 =	simm.s32 $0x1410  }
0x1b7: {  	v21 =	vmul.u32 $0x3, v21;
	[tilespmem:s3+$0xFFFFFBF0] =	vst v20;
	v22 =	vadd.s32 $0x2, v20  }
0x1b8: {  	v20 =	vadd.s32 $0x1, v20;
	[tilespmem:s3+$0x3F0] =	vst v22  }
0x1b9: {  	s10 =	simm.s32 $0x2C10;
	v22 =	vadd.s32 $0x2, v21;
	[tilespmem:s3+$0xFFFFFFF0] =	vst v20  }
0x1ba: {  	s31 =	simm.s32 $0x10;
	[tilespmem:s10+$0x3F0] =	vst v22  }
0x1bb: {  	s0 =	sand.u32 $0x70, s31;
	v20 =	vadd.s32 $0x1, v21;
	[tilespmem:s10+$0xFFFFFBF0] =	vst v21  }
0x1bc: {  	s0 =	sor.u32 s0, s11;
	[tilespmem:s10+$0xFFFFFFF0] =	vst v20  }
0x1bd: {  	v21 =	vld [tilespmem:s0+$0x0];
	_ =	sdelay $0x2  }
0x1be: {  	v20 =	vld [tilespmem:s0+$0x80]  }
0x1bf: {  	s13 =	simm.s32 $0x1430  }
0x1c0: {  	s14 =	simm.s32 $0x2C30;
	s15 =	simm.s32 $0x0;
	s11 =	simm.s32 $0x0;
	v21 =	vmul.u32 $0x3, v21  }
.LBB2_13:
0x1c1: {  	s11 =	sadd.s32 $0x2, s11;
	s2 =	sadd.s32 $0x40, s2;
	s15 =	sadd.s32 $0x20, s15  }
0x1c2: {  	p1 =	slt.u32 s11, $0x3E;
	[tilespmem:s3+$0xFFFFFC00] =	vst v21;
	v22 =	vadd.s32 $0x1, v21;
	v21 =	vadd.s32 $0x2, v21  }
0x1c3: {  	v20 =	vmul.u32 $0x3, v20;
	[tilespmem:s3+$0x0] =	vst v22  }
0x1c4: {  	[tilespmem:s3+$0x400] =	vst v21;
	s3 =	smov.u32 s13  }
0x1c5: {  	[tilespmem:s10+$0xFFFFFC00] =	vst v20;
	v21 =	vadd.s32 $0x1, v20;
	v20 =	vadd.s32 $0x2, v20  }
0x1c6: {  	s0 =	sand.u32 $0x60, s15;
	s16 =	sand.u32 $0x700, s2;
	[tilespmem:s10+$0x400] =	vst v20  }
0x1c7: {  	s0 =	sor.u32 s0, s16;
	[tilespmem:s10+$0x0] =	vst v21;
	s10 =	smov.u32 s14  }
0x1c8: {  	v20 =	vld [tilespmem:s0+$0x0]  }
0x1c9: {  	v21 =	vld [tilespmem:s0+$0x80];
	_ =	sdelay $0x3  }
0x1ca: {  	v20 =	vmul.u32 $0x3, v20  }
0x1cb: {  	v21 =	vmul.u32 $0x3, v21  }
0x1cc: {  	[tilespmem:s13+$0xFFFFFBF0] =	vst v20;
	v22 =	vadd.s32 $0x1, v20;
	v20 =	vadd.s32 $0x2, v20  }
0x1cd: {  	[tilespmem:s13+$0x3F0] =	vst v20;
	v20 =	vadd.s32 $0x2, v21  }
0x1ce: {  	[tilespmem:s13+$0xFFFFFFF0] =	vst v22  }
0x1cf: {  	s0 =	sadd.s32 $0x10, s15;
	[tilespmem:s14+$0x3F0] =	vst v20  }
0x1d0: {  	s0 =	sand.u32 $0x70, s0;
	v20 =	vadd.s32 $0x1, v21;
	[tilespmem:s14+$0xFFFFFBF0] =	vst v21  }
0x1d1: {  	s0 =	sor.u32 s0, s16;
	[tilespmem:s14+$0xFFFFFFF0] =	vst v20  }
0x1d2: {  	v21 =	vld [tilespmem:s0+$0x0]  }
.Ltmp10:
0x1d3: {  	(pc) =	sbr.rel @p1 .LBB2_13-.Ltmp10, $3  }
0x1d4: {  	_ = 	snop  }
0x1d5: {  	v20 =	vld [tilespmem:s0+$0x80];
	_ =	sdelay $0x1  }
0x1d6: {  	s13 =	sadd.s32 $0x20, s13;
	s14 =	sadd.s32 $0x20, s14;
	v21 =	vmul.u32 $0x3, v21  }
0x1d7: {  	_ = 	snop  }
0x1d8: {  	[tilespmem:s3+$0xFFFFFC00] =	vst v21;
	v22 =	vadd.s32 $0x1, v21  }
0x1d9: {  	v62 =	vadd.s32 $0x2, v21;
	v20 =	vmul.u32 $0x3, v20;
	[tilespmem:s3+$0x0] =	vst v22  }
0x1da: {  	[tilespmem:s3+$0x400] =	vst v62  }
0x1db: {  	[tilespmem:s10+$0xFFFFFC00] =	vst v20;
	v63 =	vadd.s32 $0x2, v20  }
0x1dc: {  	v20 =	vadd.s32 $0x1, v20;
	[tilespmem:s10+$0x400] =	vst v63  }
0x1dd: {  	s0 =	simm.s32 $0x1000;
	s2 =	simm.s32 $0x4000;
	[tilespmem:s10+$0x0] =	vst v20  }
0x1de: {  	[tilespmem:s2], [sflag:$0x3] =	stream.indirect.gather [hbm4b:s1+s12], $0x1, s0, s12, $0xb8;
	[tilespmem:$0xFC00] =	vst v63  }
0x1df: {  	s24 =	simm.s32 $0x2800;
	s31 =	simm.s32 $0x5800  }
0x1e0: {  	[tilespmem:s31], [sflag:$0x5] =	stream.indirect.gather [hbm4b:s1+s12], $0x1, s24, s12, $0xb8;
	[tilespmem:$0xFC00] =	vst v63  }
.LBB2_15:
0x1e1: {  	s0 =	sadd.s32 $0x3, s9  }
0x1e2: {  	p1 =	sge.u32 s0, s5  }
0x1e3: {  	s0 =	sshll.u32 @!p1 s0, $0xD  }
0x1e4: {  	s2 =	simm.s32 @!p1 $0x0;
	s3 =	simm.s32 @!p1 $0x800;
	s0 =	sadd.s32 @!p1 s0, s6  }
0x1e5: {  	[tilespmem:s3], [sflag:$0x2] =	stream.linear.gather @!p1 [hbm4b:s0+s2], $0x800, $0x38;
	[tilespmem:$0xFC00] =	vst v63  }
0x1e6: {  	s0 =	simm.s32 @!p0 $0x8  }
0x1e7: {  	_ =	swait.ge @!p0 [sflag:s0], $0x4000  }
0x1e8: {  	[sflag:s0] =	ssyncset.done @!p0 $0x0  }
0x1e9: {  	s3 =	simm.s32 $0x6810;
	[sflag:s0] =	ssyncadd.s32 @!p0 $0xFFFFC000  }
0x1ea: {  	s21 =	simm.s32 $0x5010;
	v20 =	vld [tilespmem:s3+$0xFFFFFFF0]  }
0x1eb: {  	v21 =	vld [tilespmem:s21+$0xFFFFFFF0]  }
0x1ec: {  	v22 =	vld [tilespmem:s3+$0xFFFFFBF0]  }
0x1ed: {  	v23 =	vld [tilespmem:s21+$0xFFFFFBF0]  }
0x1ee: {  	v24 =	vld [tilespmem:s3+$0x3F0]  }
0x1ef: {  	v25 =	vld [tilespmem:s21+$0x3F0];
	_ =	sdelay $0x2  }
0x1f0: {  	v20 =	vsub.f32 v21, v20;
	v21 =	vsub.f32 v23, v22;
	_ =	sdelay $0x1  }
0x1f1: {  	v22 =	vsub.f32 v25, v24;
	v21 =	vmul.f32 v21, v21;
	v20 =	vmul.f32 v20, v20;
	_ =	sdelay $0x1  }
0x1f2: {  	v20 =	vadd.f32 v20, v21;
	v21 =	vmul.f32 v22, v22;
	_ =	sdelay $0x1  }
0x1f3: {  	v20 =	vadd.f32 v21, v20;
	_ =	sdelay $0x1  }
0x1f4: {  	v20 =	vmax.f32 v20, $1.000000000e-30  }
0x1f5: {  	v21 =	vshrl.u32 v20, $0x1;
	v22 =	vmul.f32 $5.000000000e-01, v20  }
0x1f6: {  	v21 =	vsub.s32 $0x5F3759DF, v21  }
0x1f7: {  	v23 =	vmul.f32 v21, v22;
	_ =	sdelay $0x1  }
0x1f8: {  	v23 =	vmul.f32 v21, v23;
	_ =	sdelay $0x1  }
0x1f9: {  	v23 =	vsub.f32 $1.500000000e+00, v23;
	_ =	sdelay $0x1  }
0x1fa: {  	v21 =	vmul.f32 v21, v23;
	_ =	sdelay $0x1  }
0x1fb: {  	v23 =	vmul.f32 v21, v22;
	_ =	sdelay $0x1  }
0x1fc: {  	v23 =	vmul.f32 v23, v21;
	_ =	sdelay $0x1  }
0x1fd: {  	v23 =	vsub.f32 $1.500000000e+00, v23;
	_ =	sdelay $0x1  }
0x1fe: {  	v21 =	vmul.f32 v23, v21;
	_ =	sdelay $0x1  }
0x1ff: {  	v22 =	vmul.f32 v21, v22;
	_ =	sdelay $0x1  }
0x200: {  	v22 =	vmul.f32 v22, v21;
	_ =	sdelay $0x1  }
0x201: {  	v22 =	vsub.f32 $1.500000000e+00, v22;
	_ =	sdelay $0x1  }
0x202: {  	v21 =	vmul.f32 v22, v21;
	_ =	sdelay $0x1  }
0x203: {  	v20 =	vmul.f32 v21, v20;
	_ =	sdelay $0x1  }
0x204: {  	v21 =	vsub.f32 v20, v1  }
0x205: {  	v22 =	vsub.f32 v20, v6;
	v23 =	vsub.f32 v20, v2  }
0x206: {  	v24 =	vsub.f32 v20, v5;
	v25 =	vsub.f32 v20, v3  }
0x207: {  	v26 =	vsub.f32 v20, v0;
	v27 =	vsub.f32 v20, v4;
	v21 =	vmul.f32 v21, v21  }
0x208: {  	v28 =	vsub.f32 v20, v7;
	v22 =	vmul.f32 v22, v22;
	v23 =	vmul.f32 v23, v23  }
0x209: {  	v29 =	vsub.f32 v20, v8;
	v24 =	vmul.f32 v24, v24;
	v25 =	vmul.f32 v25, v25  }
0x20a: {  	v20 =	vsub.f32 v20, v9;
	v26 =	vmul.f32 v26, v26;
	v27 =	vmul.f32 v27, v27  }
0x20b: {  	v28 =	vmul.f32 v28, v28;
	v29 =	vmul.f32 v29, v29  }
0x20c: {  	v20 =	vmul.f32 v20, v20;
	v23 =	vmul.f32 v23, v12  }
0x20d: {  	v21 =	vmul.f32 v21, v11;
	v24 =	vmul.f32 v24, v15  }
0x20e: {  	v22 =	vmul.f32 v22, v16;
	v23 =	vmul.f32 $1.442695020e+00, v23  }
0x20f: {  	v21 =	vmul.f32 $1.442695020e+00, v21;
	v24 =	vmul.f32 $1.442695020e+00, v24  }
0x210: {  	(erf) = vpow2.f32 v23;
	v23 =	vmul.f32 v25, v13  }
0x211: {  	v22 =	vmul.f32 $1.442695020e+00, v22;
	v25 =	vmul.f32 v26, v10  }
0x212: {  	v26 =	vmul.f32 v28, v17;
	v23 =	vmul.f32 $1.442695020e+00, v23  }
0x213: {  	(erf) = vpow2.f32 v24;
	v24 =	vmul.f32 $1.442695020e+00, v25  }
0x214: {  	v25 =	vmul.f32 v27, v14;
	(erf) = vpow2.f32 v23  }
0x215: {  	(erf) = vpow2.f32 v21;
	v21 =	vmul.f32 v29, v18  }
0x216: {  	v23 =	vmul.f32 $1.442695020e+00, v26;
	(erf) = vpow2.f32 v24  }
0x217: {  	v21 =	vmul.f32 $1.442695020e+00, v21;
	(erf) = vpow2.f32 v22  }
0x218: {  	v25 =	vmul.f32 $1.442695020e+00, v25;
	(erf) = vpow2.f32 v23  }
0x219: {  	v20 =	vmul.f32 v20, v19;
	(erf) = vpow2.f32 v21  }
0x21a: {  	(erf) = vpow2.f32 v25  }
0x21b: {  	s2 =	simm.s32 $0x0;
	v20 =	vmul.f32 $1.442695020e+00, v20;
	v21 =	vpop (erf)  }
0x21c: {  	s22 =	sand.u32 $0x1C00, s2;
	v22 =	vpop (erf)  }
0x21d: {  	s10 =	sand.u32 $0x60, s2;
	s15 =	sadd.s32 $0xB000, s22;
	v23 =	vpop (erf)  }
0x21e: {  	s11 =	sor.u32 s10, s15;
	(erf) = vpow2.f32 v20;
	v24 =	vpop (erf)  }
0x21f: {  	[tilespmem:s11+$0x100] =	vst v21;
	v20 =	vpop (erf)  }
0x220: {  	[tilespmem:s11+$0x280] =	vst v22;
	v21 =	vpop (erf)  }
0x221: {  	s13 =	sand.u32 $0x3, s2;
	[tilespmem:s11+$0x180] =	vst v23;
	v22 =	vpop (erf)  }
0x222: {  	s13 =	sshll.u32 s13, $0x5;
	[tilespmem:s11+$0x0] =	vst v20;
	v20 =	vpop (erf)  }
0x223: {  	s13 =	sadd.s32 $0x0, s13;
	[tilespmem:s11+$0x80] =	vst v24;
	v23 =	vpop (erf)  }
0x224: {  	s16 =	sor.u32 s2, s2;
	s23 =	sor.u32 $0x300, s13;
	[tilespmem:s11+$0x200] =	vst v23  }
0x225: {  	s14 =	sadd.s32 $0xD000, s22;
	s24 =	sor.u32 $0x380, s16;
	[tilespmem:s23+$0xB000] =	vst v21  }
0x226: {  	s16 =	sadd.s32 $0xD080, s22;
	s17 =	sor.u32 s10, s14;
	[tilespmem:s24+$0xB000] =	vst v22  }
0x227: {  	s0 =	sor.u32 s10, s16;
	[tilespmem:s17+$0x0] =	vst v20;
	v20 =	vpop (erf)  }
0x228: {  	s31 =	sand.u32 $0x380, s2;
	s17 =	sor.u32 $0x10, s10;
	[tilespmem:s0+$0x0] =	vst v20  }
0x229: {  	s0 =	sor.u32 s31, s17;
	v20 =	vld [tilespmem:s3+$0x0]  }
0x22a: {  	v21 =	vld [tilespmem:s0+$0x6400]  }
0x22b: {  	v22 =	vld [tilespmem:s0+$0x4C00]  }
0x22c: {  	v23 =	vld [tilespmem:s21+$0x0]  }
0x22d: {  	v24 =	vld [tilespmem:s3+$0x400]  }
0x22e: {  	v25 =	vld [tilespmem:s21+$0x400];
	_ =	sdelay $0x2  }
0x22f: {  	v21 =	vsub.f32 v22, v21;
	v20 =	vsub.f32 v23, v20;
	_ =	sdelay $0x1  }
0x230: {  	v22 =	vsub.f32 v25, v24;
	v21 =	vmul.f32 v21, v21;
	v20 =	vmul.f32 v20, v20;
	_ =	sdelay $0x1  }
0x231: {  	v20 =	vadd.f32 v20, v21;
	v21 =	vmul.f32 v22, v22;
	_ =	sdelay $0x1  }
0x232: {  	v20 =	vadd.f32 v21, v20;
	_ =	sdelay $0x1  }
0x233: {  	v20 =	vmax.f32 v20, $1.000000000e-30  }
0x234: {  	v21 =	vshrl.u32 v20, $0x1;
	v22 =	vmul.f32 $5.000000000e-01, v20  }
0x235: {  	v21 =	vsub.s32 $0x5F3759DF, v21  }
0x236: {  	v23 =	vmul.f32 v21, v22;
	_ =	sdelay $0x1  }
0x237: {  	v23 =	vmul.f32 v21, v23;
	_ =	sdelay $0x1  }
0x238: {  	v23 =	vsub.f32 $1.500000000e+00, v23;
	_ =	sdelay $0x1  }
0x239: {  	v21 =	vmul.f32 v21, v23;
	_ =	sdelay $0x1  }
0x23a: {  	v23 =	vmul.f32 v21, v22;
	_ =	sdelay $0x1  }
0x23b: {  	v23 =	vmul.f32 v23, v21;
	_ =	sdelay $0x1  }
0x23c: {  	v23 =	vsub.f32 $1.500000000e+00, v23;
	_ =	sdelay $0x1  }
0x23d: {  	v21 =	vmul.f32 v23, v21;
	_ =	sdelay $0x1  }
0x23e: {  	v22 =	vmul.f32 v21, v22;
	_ =	sdelay $0x1  }
0x23f: {  	v22 =	vmul.f32 v22, v21;
	_ =	sdelay $0x1  }
0x240: {  	v22 =	vsub.f32 $1.500000000e+00, v22;
	_ =	sdelay $0x1  }
0x241: {  	v21 =	vmul.f32 v22, v21;
	_ =	sdelay $0x1  }
0x242: {  	v21 =	vmul.f32 v21, v20;
	_ =	sdelay $0x1  }
0x243: {  	v20 =	vsub.f32 v21, v0;
	v24 =	vsub.f32 v21, v1  }
0x244: {  	v22 =	vsub.f32 v21, v2;
	v23 =	vsub.f32 v21, v3  }
0x245: {  	v26 =	vsub.f32 v21, v4;
	v27 =	vsub.f32 v21, v6;
	v25 =	vmul.f32 v20, v20  }
0x246: {  	v20 =	vsub.f32 v21, v5;
	v28 =	vmul.f32 v22, v22;
	v29 =	vmul.f32 v23, v23  }
0x247: {  	s9 =	simm.s32 $0x0;
	s11 =	simm.s32 $0x5030;
	s10 =	simm.s32 $0x6830;
	v23 =	vmul.f32 v26, v26;
	v22 =	vmul.f32 v25, v10;
	v25 =	vsub.f32 v21, v7  }
0x248: {  	s21 =	sadd.s32 $0x10, s13;
	s3 =	simm.s32 $0x20;
	s13 =	simm.s32 $0x0;
	v26 =	vmul.f32 v28, v12;
	v28 =	vmul.f32 v29, v13;
	v29 =	vsub.f32 v21, v8  }
.LBB2_16:
0x249: {  	s9 =	sadd.s32 $0x2, s9;
	v24 =	vmul.f32 v24, v24;
	v27 =	vmul.f32 v27, v27;
	v21 =	vsub.f32 v21, v9;
	s2 =	sadd.s32 $0x100, s2;
	s13 =	sadd.s32 $0x1, s13  }
0x24a: {  	p0 =	slt.u32 s9, $0x3E;
	v28 =	vmul.f32 $1.442695020e+00, v28;
	v29 =	vmul.f32 v29, v29  }
0x24b: {  	v24 =	vmul.f32 v24, v11;
	v21 =	vmul.f32 v21, v21  }
0x24c: {  	v26 =	vmul.f32 $1.442695020e+00, v26;
	(erf) = vpow2.f32 v28  }
0x24d: {  	v25 =	vmul.f32 v25, v25;
	v28 =	vmul.f32 v29, v18  }
0x24e: {  	v22 =	vmul.f32 $1.442695020e+00, v22;
	v23 =	vmul.f32 v23, v14  }
0x24f: {  	v27 =	vmul.f32 v27, v16;
	(erf) = vpow2.f32 v26  }
0x250: {  	v23 =	vmul.f32 $1.442695020e+00, v23;
	v24 =	vmul.f32 $1.442695020e+00, v24  }
0x251: {  	v20 =	vmul.f32 v20, v20;
	(erf) = vpow2.f32 v22  }
0x252: {  	v22 =	vmul.f32 $1.442695020e+00, v27;
	(erf) = vpow2.f32 v23  }
0x253: {  	v20 =	vmul.f32 v20, v15;
	(erf) = vpow2.f32 v24  }
0x254: {  	v23 =	vmul.f32 v25, v17;
	(erf) = vpow2.f32 v22  }
0x255: {  	s0 =	sor.u32 s17, s15;
	v20 =	vmul.f32 $1.442695020e+00, v20;
	v22 =	vmul.f32 $1.442695020e+00, v28;
	v24 =	vpop (erf)  }
0x256: {  	v23 =	vmul.f32 $1.442695020e+00, v23;
	[tilespmem:s0+$0x180] =	vst v24;
	v24 =	vmul.f32 v21, v19  }
0x257: {  	(erf) = vpow2.f32 v20  }
0x258: {  	v24 =	vmul.f32 $1.442695020e+00, v24;
	v21 =	vpop (erf);
	(erf) = vpow2.f32 v22  }
0x259: {  	[tilespmem:s0+$0x100] =	vst v21;
	(erf) = vpow2.f32 v23  }
0x25a: {  	v21 =	vpop (erf);
	(erf) = vpow2.f32 v24  }
0x25b: {  	[tilespmem:s0+$0x0] =	vst v21;
	v20 =	vpop (erf)  }
0x25c: {  	[tilespmem:s0+$0x200] =	vst v20;
	v20 =	vpop (erf)  }
0x25d: {  	[tilespmem:s0+$0x80] =	vst v20;
	v20 =	vpop (erf);
	_ =	sdelay $0x2  }
0x25e: {  	s15 =	sor.u32 $0x300, s21;
	v21 =	vpop (erf)  }
0x25f: {  	[tilespmem:s0+$0x280] =	vst v21;
	s0 =	sor.u32 $0x380, s21;
	v21 =	vpop (erf)  }
0x260: {  	s14 =	sor.u32 s17, s14;
	[tilespmem:s15+$0xB000] =	vst v20;
	v20 =	vpop (erf)  }
0x261: {  	[tilespmem:s0+$0xB000] =	vst v20;
	s0 =	sor.u32 s17, s16;
	v20 =	vpop (erf)  }
0x262: {  	[tilespmem:s14+$0x0] =	vst v21  }
0x263: {  	[tilespmem:s0+$0x0] =	vst v20  }
0x264: {  	v20 =	vld [tilespmem:s10+$0xFFFFFFF0]  }
0x265: {  	v21 =	vld [tilespmem:s11+$0xFFFFFFF0]  }
0x266: {  	v22 =	vld [tilespmem:s10+$0xFFFFFBF0]  }
0x267: {  	v23 =	vld [tilespmem:s11+$0xFFFFFBF0]  }
0x268: {  	v24 =	vld [tilespmem:s10+$0x3F0]  }
0x269: {  	v25 =	vld [tilespmem:s11+$0x3F0]  }
0x26a: {  	v20 =	vsub.f32 v21, v20;
	_ =	sdelay $0x1  }
0x26b: {  	v21 =	vsub.f32 v23, v22;
	_ =	sdelay $0x1  }
0x26c: {  	v20 =	vmul.f32 v20, v20;
	v22 =	vsub.f32 v25, v24;
	v21 =	vmul.f32 v21, v21;
	_ =	sdelay $0x1  }
0x26d: {  	v20 =	vadd.f32 v20, v21;
	v21 =	vmul.f32 v22, v22;
	_ =	sdelay $0x1  }
0x26e: {  	v20 =	vadd.f32 v21, v20;
	_ =	sdelay $0x1  }
0x26f: {  	v20 =	vmax.f32 v20, $1.000000000e-30  }
0x270: {  	v21 =	vshrl.u32 v20, $0x1;
	v22 =	vmul.f32 $5.000000000e-01, v20  }
0x271: {  	v21 =	vsub.s32 $0x5F3759DF, v21  }
0x272: {  	v23 =	vmul.f32 v21, v22;
	_ =	sdelay $0x1  }
0x273: {  	v23 =	vmul.f32 v21, v23;
	_ =	sdelay $0x1  }
0x274: {  	v23 =	vsub.f32 $1.500000000e+00, v23;
	_ =	sdelay $0x1  }
0x275: {  	v21 =	vmul.f32 v21, v23;
	_ =	sdelay $0x1  }
0x276: {  	v23 =	vmul.f32 v21, v22;
	_ =	sdelay $0x1  }
0x277: {  	v23 =	vmul.f32 v23, v21;
	_ =	sdelay $0x1  }
0x278: {  	v23 =	vsub.f32 $1.500000000e+00, v23;
	_ =	sdelay $0x1  }
0x279: {  	v21 =	vmul.f32 v23, v21;
	_ =	sdelay $0x1  }
0x27a: {  	v22 =	vmul.f32 v21, v22;
	_ =	sdelay $0x1  }
0x27b: {  	v22 =	vmul.f32 v22, v21;
	_ =	sdelay $0x1  }
0x27c: {  	v22 =	vsub.f32 $1.500000000e+00, v22;
	_ =	sdelay $0x1  }
0x27d: {  	v21 =	vmul.f32 v22, v21;
	_ =	sdelay $0x1  }
0x27e: {  	v20 =	vmul.f32 v21, v20;
	_ =	sdelay $0x1  }
0x27f: {  	v21 =	vsub.f32 v20, v1;
	v22 =	vsub.f32 v20, v6  }
0x280: {  	v23 =	vsub.f32 v20, v2;
	v24 =	vsub.f32 v20, v5  }
0x281: {  	v25 =	vsub.f32 v20, v3;
	v21 =	vmul.f32 v21, v21;
	v22 =	vmul.f32 v22, v22  }
0x282: {  	v26 =	vsub.f32 v20, v0;
	v23 =	vmul.f32 v23, v23;
	v24 =	vmul.f32 v24, v24  }
0x283: {  	v27 =	vsub.f32 v20, v4;
	v25 =	vmul.f32 v25, v25;
	v21 =	vmul.f32 v21, v11  }
0x284: {  	v28 =	vsub.f32 v20, v7;
	v26 =	vmul.f32 v26, v26;
	v23 =	vmul.f32 v23, v12  }
0x285: {  	v29 =	vsub.f32 v20, v8;
	v22 =	vmul.f32 v22, v16;
	v21 =	vmul.f32 $1.442695020e+00, v21  }
0x286: {  	v20 =	vsub.f32 v20, v9;
	v27 =	vmul.f32 v27, v27;
	v23 =	vmul.f32 $1.442695020e+00, v23  }
0x287: {  	v28 =	vmul.f32 v28, v28;
	v24 =	vmul.f32 v24, v15  }
0x288: {  	v29 =	vmul.f32 v29, v29;
	(erf) = vpow2.f32 v23  }
0x289: {  	v24 =	vmul.f32 $1.442695020e+00, v24;
	v23 =	vmul.f32 v25, v13  }
0x28a: {  	v25 =	vmul.f32 v26, v10;
	v26 =	vmul.f32 v28, v17  }
0x28b: {  	v23 =	vmul.f32 $1.442695020e+00, v23;
	(erf) = vpow2.f32 v24  }
0x28c: {  	v24 =	vmul.f32 $1.442695020e+00, v25;
	v25 =	vmul.f32 v27, v14  }
0x28d: {  	v22 =	vmul.f32 $1.442695020e+00, v22;
	(erf) = vpow2.f32 v23  }
0x28e: {  	v23 =	vmul.f32 $1.442695020e+00, v26;
	(erf) = vpow2.f32 v21  }
0x28f: {  	s0 =	sand.u32 $0x1C00, s2;
	v26 =	vmul.f32 v29, v18;
	v21 =	vmul.f32 $1.442695020e+00, v25  }
0x290: {  	s17 =	sand.u32 $0x60, s3;
	s15 =	sadd.s32 $0xB000, s0;
	s14 =	sadd.s32 $0xD000, s0;
	v20 =	vmul.f32 v20, v20;
	(erf) = vpow2.f32 v24  }
0x291: {  	s16 =	sor.u32 s17, s15;
	s22 =	sor.u32 s17, s14;
	v24 =	vmul.f32 $1.442695020e+00, v26;
	v25 =	vpop (erf);
	(erf) = vpow2.f32 v22  }
0x292: {  	v20 =	vmul.f32 v20, v19;
	[tilespmem:s16+$0x100] =	vst v25;
	(erf) = vpow2.f32 v23  }
0x293: {  	(erf) = vpow2.f32 v24  }
0x294: {  	v20 =	vmul.f32 $1.442695020e+00, v20;
	(erf) = vpow2.f32 v21;
	v21 =	vpop (erf)  }
0x295: {  	[tilespmem:s16+$0x280] =	vst v21  }
0x296: {  	v21 =	vpop (erf)  }
0x297: {  	v22 =	vpop (erf)  }
0x298: {  	[tilespmem:s16+$0x80] =	vst v22;
	(erf) = vpow2.f32 v20  }
0x299: {  	v20 =	vpop (erf)  }
0x29a: {  	[tilespmem:s16+$0x0] =	vst v20;
	v20 =	vpop (erf)  }
0x29b: {  	s21 =	sand.u32 $0x3, s13;
	v22 =	vpop (erf)  }
0x29c: {  	s21 =	sshll.u32 s21, $0x5;
	v23 =	vpop (erf)  }
0x29d: {  	s21 =	sadd.s32 s21, s2;
	[tilespmem:s16+$0x180] =	vst v21;
	v21 =	vpop (erf)  }
0x29e: {  	s23 =	sor.u32 s2, s3;
	[tilespmem:s16+$0x200] =	vst v21;
	s16 =	sor.u32 $0x300, s21;
	s21 =	sadd.s32 $0x10, s21  }
0x29f: {  	[tilespmem:s16+$0xB000] =	vst v20;
	s16 =	sor.u32 $0x380, s23  }
0x2a0: {  	[tilespmem:s16+$0xB000] =	vst v22;
	s16 =	sadd.s32 $0xD080, s0  }
0x2a1: {  	[tilespmem:s22+$0x0] =	vst v23;
	s0 =	sor.u32 s17, s16;
	v20 =	vpop (erf)  }
0x2a2: {  	s17 =	sor.u32 $0x10, s17;
	[tilespmem:s0+$0x0] =	vst v20;
	s0 =	sand.u32 $0x380, s3  }
0x2a3: {  	s0 =	sor.u32 s0, s17;
	v20 =	vld [tilespmem:s10+$0x0]  }
0x2a4: {  	v21 =	vld [tilespmem:s0+$0x6400]  }
0x2a5: {  	v22 =	vld [tilespmem:s0+$0x4C00]  }
0x2a6: {  	v23 =	vld [tilespmem:s11+$0x0]  }
0x2a7: {  	v24 =	vld [tilespmem:s10+$0x400]  }
0x2a8: {  	v25 =	vld [tilespmem:s11+$0x400];
	_ =	sdelay $0x1  }
0x2a9: {  	v21 =	vsub.f32 v22, v21  }
0x2aa: {  	v20 =	vsub.f32 v23, v20;
	_ =	sdelay $0x1  }
0x2ab: {  	v21 =	vmul.f32 v21, v21;
	v22 =	vsub.f32 v25, v24;
	v20 =	vmul.f32 v20, v20;
	_ =	sdelay $0x1  }
0x2ac: {  	v20 =	vadd.f32 v20, v21;
	v21 =	vmul.f32 v22, v22;
	_ =	sdelay $0x1  }
0x2ad: {  	v20 =	vadd.f32 v21, v20;
	_ =	sdelay $0x1  }
0x2ae: {  	v20 =	vmax.f32 v20, $1.000000000e-30  }
0x2af: {  	v21 =	vshrl.u32 v20, $0x1;
	v22 =	vmul.f32 $5.000000000e-01, v20  }
0x2b0: {  	v21 =	vsub.s32 $0x5F3759DF, v21  }
0x2b1: {  	v23 =	vmul.f32 v21, v22;
	_ =	sdelay $0x1  }
0x2b2: {  	v23 =	vmul.f32 v21, v23;
	_ =	sdelay $0x1  }
0x2b3: {  	v23 =	vsub.f32 $1.500000000e+00, v23;
	_ =	sdelay $0x1  }
0x2b4: {  	v21 =	vmul.f32 v21, v23;
	_ =	sdelay $0x1  }
0x2b5: {  	v23 =	vmul.f32 v21, v22;
	_ =	sdelay $0x1  }
0x2b6: {  	v23 =	vmul.f32 v23, v21;
	_ =	sdelay $0x1  }
0x2b7: {  	v23 =	vsub.f32 $1.500000000e+00, v23;
	_ =	sdelay $0x1  }
0x2b8: {  	v21 =	vmul.f32 v23, v21;
	_ =	sdelay $0x1  }
0x2b9: {  	v22 =	vmul.f32 v21, v22;
	_ =	sdelay $0x1  }
0x2ba: {  	v22 =	vmul.f32 v22, v21;
	_ =	sdelay $0x1  }
0x2bb: {  	v22 =	vsub.f32 $1.500000000e+00, v22;
	_ =	sdelay $0x1  }
0x2bc: {  	v21 =	vmul.f32 v22, v21;
	_ =	sdelay $0x1  }
0x2bd: {  	v21 =	vmul.f32 v21, v20;
	_ =	sdelay $0x1  }
0x2be: {  	v20 =	vsub.f32 v21, v0;
	v24 =	vsub.f32 v21, v1  }
.Ltmp11:
0x2bf: {  	v22 =	vsub.f32 v21, v2;
	v23 =	vsub.f32 v21, v3;
	(pc) =	sbr.rel @p0 .LBB2_16-.Ltmp11, $4  }
0x2c0: {  	v26 =	vsub.f32 v21, v4;
	v25 =	vmul.f32 v20, v20;
	v20 =	vsub.f32 v21, v5  }
0x2c1: {  	v27 =	vsub.f32 v21, v6;
	v28 =	vmul.f32 v22, v22;
	v29 =	vmul.f32 v23, v23  }
0x2c2: {  	v23 =	vmul.f32 v26, v26;
	v22 =	vmul.f32 v25, v10;
	v25 =	vsub.f32 v21, v7  }
0x2c3: {  	s3 =	sadd.s32 $0x20, s3;
	s10 =	sadd.s32 $0x20, s10;
	s11 =	sadd.s32 $0x20, s11;
	v26 =	vmul.f32 v28, v12;
	v28 =	vmul.f32 v29, v13;
	v29 =	vsub.f32 v21, v8  }
0x2c4: {  	v24 =	vmul.f32 v24, v24  }
0x2c5: {  	v27 =	vmul.f32 v27, v27;
	v25 =	vmul.f32 v25, v25  }
0x2c6: {  	v22 =	vmul.f32 $1.442695020e+00, v22;
	v23 =	vmul.f32 v23, v14  }
0x2c7: {  	v21 =	vsub.f32 v21, v9;
	v20 =	vmul.f32 v20, v20;
	v28 =	vmul.f32 $1.442695020e+00, v28  }
0x2c8: {  	v29 =	vmul.f32 v29, v29;
	v26 =	vmul.f32 $1.442695020e+00, v26  }
0x2c9: {  	v24 =	vmul.f32 v24, v11;
	v21 =	vmul.f32 v21, v21  }
0x2ca: {  	v27 =	vmul.f32 v27, v16;
	v23 =	vmul.f32 $1.442695020e+00, v23  }
0x2cb: {  	v20 =	vmul.f32 v20, v15;
	v56 =	vmul.f32 v25, v17  }
0x2cc: {  	(erf) = vpow2.f32 v28;
	v54 =	vmul.f32 v29, v18  }
0x2cd: {  	(erf) = vpow2.f32 v26;
	v24 =	vmul.f32 $1.442695020e+00, v24  }
0x2ce: {  	v55 =	vmul.f32 $1.442695020e+00, v27;
	(erf) = vpow2.f32 v22  }
0x2cf: {  	v20 =	vmul.f32 $1.442695020e+00, v20;
	(erf) = vpow2.f32 v23  }
0x2d0: {  	v21 =	vmul.f32 v21, v19;
	(erf) = vpow2.f32 v24  }
0x2d1: {  	v57 =	vmul.f32 $1.442695020e+00, v54;
	(erf) = vpow2.f32 v55  }
0x2d2: {  	v23 =	vmul.f32 $1.442695020e+00, v56;
	(erf) = vpow2.f32 v20  }
0x2d3: {  	v20 =	vmul.f32 $1.442695020e+00, v21;
	(erf) = vpow2.f32 v57  }
0x2d4: {  	(erf) = vpow2.f32 v23  }
0x2d5: {  	v58 =	vpop (erf)  }
0x2d6: {  	s0 =	sor.u32 s17, s15;
	(erf) = vpow2.f32 v20;
	v59 =	vpop (erf)  }
0x2d7: {  	[tilespmem:s0+$0x180] =	vst v58;
	v20 =	vpop (erf)  }
0x2d8: {  	[tilespmem:s0+$0x100] =	vst v59;
	v60 =	vpop (erf)  }
0x2d9: {  	[tilespmem:s0+$0x0] =	vst v20;
	v20 =	vpop (erf)  }
0x2da: {  	[tilespmem:s0+$0x200] =	vst v60;
	v61 =	vpop (erf)  }
0x2db: {  	[tilespmem:s0+$0x80] =	vst v20;
	v20 =	vpop (erf)  }
0x2dc: {  	s2 =	sor.u32 $0x300, s21;
	[tilespmem:s0+$0x280] =	vst v20;
	v20 =	vpop (erf)  }
.Ltmp12:
0x2dd: {  	s15 =	sor.u32 $0x380, s21;
	[tilespmem:s2+$0xB000] =	vst v61;
	v62 =	vpop (erf);
	(pc) =	sbr.rel .LBB2_18-.Ltmp12, $4  }
0x2de: {  	s21 =	sor.u32 s17, s14;
	[tilespmem:s15+$0xB000] =	vst v62  }
0x2df: {  	s22 =	sor.u32 s17, s16;
	s23 =	sshll.u32 s7, $0xF;
	v63 =	vpop (erf);
	[tilespmem:s21+$0x0] =	vst v20  }
0x2e0: {  	s31 =	simm.s32 $0xB000;
	s24 =	sadd.s32 s23, s8;
	[tilespmem:s22+$0x0] =	vst v63  }
0x2e1: {  	[hbm4b:s24+s25] =	stream.strided.scatter [tilespmem:s31], [sflag:$0x8], $0x4000, s26, s25, $0x38;
	[tilespmem:$0xFC00] =	vst v63  }
.LBB2_20:
0x2e2: {  	_ =	sfence.sel $0x180000  }
0x2e3: {  	[bflag:$0x0] =	sbarrier.arrive $0xFFFF  }
0x2e4: {  	_ =	strace $0x90000047  }
0x2e5: {  	s0 =	stileid.u32;
	[bflag:$0x2] =	sbarrier.arrive $0xFFFF  }
0x2e6: {  	p0 =	sne.s32 s0, $0x0;
	s0 =	rddreg [dreg:$0x4]  }
0x2e7: {  	s0 =	sadd.s32 @!p0 $0x100000, s0  }
0x2e8: {  	[sflag:s0] =	ssyncadd.tile.s32 @!p0 $0x1;
	_ =	shalt  }
.Lfunc_end2:
_tile_overlayer_lowered:
.L_overlay_start_2:
0x2e9: {  	(tag) =	ssettag $0x2  }
0x2ea: {  	s0 =	rddreg [dreg:$0x0];
	s2 =	stileid.u32  }
0x2eb: {  	s1 =	rddreg [dreg:$0x1];
	p0 =	sne.s32 s2, $0x0  }
0x2ec: {  	s3 =	rddreg [dreg:$0x2];
	[bflag:$0x3] =	sbarrier.arrive $0xFFFF;
	s2 =	simm.s32 @!p0 $0x1C09  }
0x2ed: {  	[timem:s3], [sflag:s2] =	dma.local @!p0 [hbm:s0], s1  }
0x2ee: {  	s0 =	simm.s32 @!p0 $0x9  }
0x2ef: {  	_ =	swait.ge @!p0 [sflag:s0], s1  }
0x2f0: {  	s1 =	ssub.s32 @!p0 $0x0, s1;
	[sflag:s0] =	ssyncset.done @!p0 $0x0  }
0x2f1: {  	[sflag:s0] =	ssyncadd.s32 @!p0 s1  }
0x2f2: {  	[bflag:$0x3] =	sbarrier.arrive $0xFFFF  }
0x2f3: {  	_ =	shalt  }

</sc_bundles>
